<compile_context>
chip_gen: v7x
topology: tpu7x:2x2x1
jax: 0.10.2.dev20260603
libtpu: 0.0.44.dev20260713+nightly
codegen_flags: <defaults>
</compile_context>

<pallas_src>
import functools

import jax
import jax.numpy as jnp
from jax import lax
from jax.experimental import pallas as pl
from jax.experimental.pallas import tpu as pltpu
from jax.experimental.pallas import tpu_sc as plsc

CH = 4


def kernel(x, pe_weight):
    seq_len, batch, d_model = x.shape
    info = plsc.get_sparse_core_info()
    nw = info.num_cores * info.num_subcores
    rows_per_w = seq_len // nw
    n_chunks = rows_per_w // CH
    mesh = plsc.VectorSubcoreMesh(core_axis_name="c", subcore_axis_name="s")

    @functools.partial(
        pl.kernel,
        out_type=jax.ShapeDtypeStruct((seq_len, batch, d_model), jnp.float32),
        mesh=mesh,
        scratch_types=[
            pltpu.VMEM((2, CH, batch, d_model), jnp.float32),
            pltpu.VMEM((2, CH, d_model), jnp.float32),
            pltpu.VMEM((2, CH, batch, d_model), jnp.float32),
            pltpu.SemaphoreType.DMA((2,)),
            pltpu.SemaphoreType.DMA((2,)),
            pltpu.SemaphoreType.DMA((2,)),
        ],
    )
    def sc_add(x_hbm, pe_hbm, out_hbm, x_v, pe_v, o_v, sx, sp, so):
        wid = lax.axis_index("s") * info.num_cores + lax.axis_index("c")
        base = wid * rows_per_w

        def in_copies(ci, slot):
            row0 = base + ci * CH
            return (
                pltpu.make_async_copy(
                    x_hbm.at[pl.ds(row0, CH)], x_v.at[slot], sx.at[slot]
                ),
                pltpu.make_async_copy(
                    pe_hbm.at[pl.ds(row0, CH)], pe_v.at[slot], sp.at[slot]
                ),
            )

        def out_copy(ci, slot):
            row0 = base + ci * CH
            return pltpu.make_async_copy(
                o_v.at[slot], out_hbm.at[pl.ds(row0, CH)], so.at[slot]
            )

        for k in range(2):
            cx, cp = in_copies(k, k)
            cx.start()
            cp.start()

        @pl.loop(0, n_chunks)
        def _chunk(ci):
            slot = lax.rem(ci, 2)
            cx, cp = in_copies(ci, slot)
            cx.wait()
            cp.wait()

            @pl.when(ci >= 2)
            def _wait_out():
                out_copy(ci - 2, slot).wait()

            for r in range(CH):
                @pl.loop(0, d_model // 16, unroll=4)
                def _d(j):
                    dvec = pe_v[slot, r, pl.ds(j * 16, 16)]
                    for b in range(batch):
                        o_v[slot, r, b, pl.ds(j * 16, 16)] = (
                            x_v[slot, r, b, pl.ds(j * 16, 16)] + dvec
                        )

            out_copy(ci, slot).start()

            @pl.when(ci + 2 < n_chunks)
            def _refill():
                cx2, cp2 = in_copies(ci + 2, slot)
                cx2.start()
                cp2.start()

        for k in range(2):
            out_copy(n_chunks - 2 + k, lax.rem(n_chunks - 2 + k, 2)).wait()

    return sc_add(x, pe_weight)

# --- scband reference (transcript-rebuilt; emitter-appended) ---
"""Pipeline reference for scband-learned-positional-encoding-40948218200334 (READ-ONLY COPY).

The authoritative reference and input builder live on the scoring server;
editing this copy changes nothing except your own understanding.
"""

import jax, jax.numpy as jnp
import numpy as np

D_MODEL = 1024
MAX_LEN = 8192
SEQ_LEN = 8192
BATCH = 4

def setup_inputs(seed: int = 0) -> dict:
    key = jax.random.key(seed)
    k1, k2 = jax.random.split(key)
    x = jax.random.normal(k1, (SEQ_LEN, BATCH, D_MODEL), dtype=jnp.float32)
    # learned positional embedding table, init std=0.02 like nn.init.normal_
    pe_weight = jax.random.normal(k2, (MAX_LEN, D_MODEL), dtype=jnp.float32) * 0.02
    return {"x": x, "pe_weight": pe_weight}

def reference(x, pe_weight):
    # x: (seq_len, batch, d_model)
    seq_len = x.shape[0]
    positions = jnp.arange(seq_len, dtype=jnp.int32)
    # embedding lookup -> (seq_len, d_model), then broadcast over batch dim
    pos_encoding = jnp.take(pe_weight, positions, axis=0)[:, None, :]
    out = x + pos_encoding
    # dropout is identity in eval/inference mode
    return out

if __name__ == "__main__":
    import jax
    _d = setup_inputs()
    print(jax.jit(kernel)(*tuple(_d.values())))

</pallas_src>

<mosaic_0001>
#map = affine_map<(d0, d1) -> (0, 0, 0)>
#map1 = affine_map<(d0, d1) -> (0, 0)>
module attributes {stable_mosaic.version = 14 : i64} {
  func.func @sc_add(%arg0: i32, %arg1: i32, %arg2: memref<8192x4x1024xf32, #tpu.memory_space<hbm>>, %arg3: memref<8192x1024xf32, #tpu.memory_space<hbm>>, %arg4: memref<8192x4x1024xf32, #tpu.memory_space<hbm>>, %arg5: memref<2x4x4x1024xf32, #tpu.memory_space<vmem>>, %arg6: memref<2x4x1024xf32, #tpu.memory_space<vmem>>, %arg7: memref<2x4x4x1024xf32, #tpu.memory_space<vmem>>, %arg8: memref<2x!tpu.dma_semaphore, #tpu.memory_space<semaphore_mem>>, %arg9: memref<2x!tpu.dma_semaphore, #tpu.memory_space<semaphore_mem>>, %arg10: memref<2x!tpu.dma_semaphore, #tpu.memory_space<semaphore_mem>>) attributes {dimension_semantics = [#tpu.dimension_semantics<core_parallel>, #tpu.dimension_semantics<subcore_parallel>], iteration_bounds = array<i64: 2, 16>, scalar_prefetch = 0 : i64, scratch_operands = 6 : i64, tpu.core_type = #tpu.core_type<sc_vector_subcore>, window_params = [{transform_indices = #map}, {transform_indices = #map1}, {transform_indices = #map}]} {
    %mul3A = arith.constant 2 : i32
    %mul3A_0 = arith.muli %arg1, %mul3A : i32
    %add3A = arith.addi %mul3A_0, %arg0 : i32
    %mul3A_1 = arith.constant 256 : i32
    %mul3A_2 = arith.muli %add3A, %mul3A_1 : i32
    %add3A_3 = arith.constant 0 : i32
    %add3A_4 = arith.addi %mul3A_2, %add3A_3 : i32
    %dma_start3A = arith.constant 0 : i32
    %dma_start3A_5 = arith.constant 0 : i32
    %dma_start3A_6 = arith.constant 0 : i32
    %dma_start3A_7 = arith.constant 0 : i32
    %dma_start3A_8 = arith.constant 0 : i32
    %dma_start3A_9 = tpu.memref_slice %arg5[%dma_start3A, %dma_start3A_6, %dma_start3A_7, %dma_start3A_8] : memref<2x4x4x1024xf32, #tpu.memory_space<vmem>> -> memref<1x4x4x1024xf32, #tpu.memory_space<vmem>>
    %dma_start3A_10 = tpu.memref_squeeze %dma_start3A_9 : memref<1x4x4x1024xf32, #tpu.memory_space<vmem>> -> memref<4x4x1024xf32, #tpu.memory_space<vmem>>
    %dma_start3A_11 = arith.constant 0 : i32
    %dma_start3A_12 = arith.constant 0 : i32
    %dma_start3A_13 = tpu.memref_slice %arg2[%add3A_4, %dma_start3A_11, %dma_start3A_12] : memref<8192x4x1024xf32, #tpu.memory_space<hbm>> -> memref<4x4x1024xf32, #tpu.memory_space<hbm>>
    %dma_start3A_14 = tpu.memref_slice %arg8[%dma_start3A_5] : memref<2x!tpu.dma_semaphore, #tpu.memory_space<semaphore_mem>> -> memref<1x!tpu.dma_semaphore, #tpu.memory_space<semaphore_mem>>
    %dma_start3A_15 = tpu.memref_squeeze %dma_start3A_14 : memref<1x!tpu.dma_semaphore, #tpu.memory_space<semaphore_mem>> -> memref<!tpu.dma_semaphore, #tpu.memory_space<semaphore_mem>>
    %dma_start3A_16 = arith.constant 0 : i32
    %dma_start3A_17 = arith.constant 0 : i32
    %dma_start3A_18 = arith.constant 0 : i32
    %dma_start3A_19 = tpu.memref_slice %arg5[%dma_start3A, %dma_start3A_16, %dma_start3A_17, %dma_start3A_18] : memref<2x4x4x1024xf32, #tpu.memory_space<vmem>> -> memref<1x4x4x1024xf32, #tpu.memory_space<vmem>>
    %dma_start3A_20 = tpu.memref_squeeze %dma_start3A_19 : memref<1x4x4x1024xf32, #tpu.memory_space<vmem>> -> memref<4x4x1024xf32, #tpu.memory_space<vmem>>
    %dma_start3A_21 = arith.constant 0 : i32
    %dma_start3A_22 = arith.constant 0 : i32
    %dma_start3A_23 = tpu.memref_slice %arg2[%add3A_4, %dma_start3A_21, %dma_start3A_22] : memref<8192x4x1024xf32, #tpu.memory_space<hbm>> -> memref<4x4x1024xf32, #tpu.memory_space<hbm>>
    tpu.enqueue_dma source(%dma_start3A_23 : memref<4x4x1024xf32, #tpu.memory_space<hbm>>) target(%dma_start3A_20 : memref<4x4x1024xf32, #tpu.memory_space<vmem>>) target_semaphore(%dma_start3A_15 : memref<!tpu.dma_semaphore, #tpu.memory_space<semaphore_mem>>)
    %dma_start3A_24 = arith.constant 0 : i32
    %dma_start3A_25 = arith.constant 0 : i32
    %dma_start3A_26 = arith.constant 0 : i32
    %dma_start3A_27 = arith.constant 0 : i32
    %dma_start3A_28 = tpu.memref_slice %arg6[%dma_start3A_24, %dma_start3A_26, %dma_start3A_27] : memref<2x4x1024xf32, #tpu.memory_space<vmem>> -> memref<1x4x1024xf32, #tpu.memory_space<vmem>>
    %dma_start3A_29 = tpu.memref_squeeze %dma_start3A_28 : memref<1x4x1024xf32, #tpu.memory_space<vmem>> -> memref<4x1024xf32, #tpu.memory_space<vmem>>
    %dma_start3A_30 = arith.constant 0 : i32
    %dma_start3A_31 = tpu.memref_slice %arg3[%add3A_4, %dma_start3A_30] : memref<8192x1024xf32, #tpu.memory_space<hbm>> -> memref<4x1024xf32, #tpu.memory_space<hbm>>
    %dma_start3A_32 = tpu.memref_slice %arg9[%dma_start3A_25] : memref<2x!tpu.dma_semaphore, #tpu.memory_space<semaphore_mem>> -> memref<1x!tpu.dma_semaphore, #tpu.memory_space<semaphore_mem>>
    %dma_start3A_33 = tpu.memref_squeeze %dma_start3A_32 : memref<1x!tpu.dma_semaphore, #tpu.memory_space<semaphore_mem>> -> memref<!tpu.dma_semaphore, #tpu.memory_space<semaphore_mem>>
    %dma_start3A_34 = arith.constant 0 : i32
    %dma_start3A_35 = arith.constant 0 : i32
    %dma_start3A_36 = tpu.memref_slice %arg6[%dma_start3A_24, %dma_start3A_34, %dma_start3A_35] : memref<2x4x1024xf32, #tpu.memory_space<vmem>> -> memref<1x4x1024xf32, #tpu.memory_space<vmem>>
    %dma_start3A_37 = tpu.memref_squeeze %dma_start3A_36 : memref<1x4x1024xf32, #tpu.memory_space<vmem>> -> memref<4x1024xf32, #tpu.memory_space<vmem>>
    %dma_start3A_38 = arith.constant 0 : i32
    %dma_start3A_39 = tpu.memref_slice %arg3[%add3A_4, %dma_start3A_38] : memref<8192x1024xf32, #tpu.memory_space<hbm>> -> memref<4x1024xf32, #tpu.memory_space<hbm>>
    tpu.enqueue_dma source(%dma_start3A_39 : memref<4x1024xf32, #tpu.memory_space<hbm>>) target(%dma_start3A_37 : memref<4x1024xf32, #tpu.memory_space<vmem>>) target_semaphore(%dma_start3A_33 : memref<!tpu.dma_semaphore, #tpu.memory_space<semaphore_mem>>)
    %add3A_40 = arith.constant 4 : i32
    %add3A_41 = arith.addi %mul3A_2, %add3A_40 : i32
    %dma_start3A_42 = arith.constant 1 : i32
    %dma_start3A_43 = arith.constant 1 : i32
    %dma_start3A_44 = arith.constant 0 : i32
    %dma_start3A_45 = arith.constant 0 : i32
    %dma_start3A_46 = arith.constant 0 : i32
    %dma_start3A_47 = tpu.memref_slice %arg5[%dma_start3A_42, %dma_start3A_44, %dma_start3A_45, %dma_start3A_46] : memref<2x4x4x1024xf32, #tpu.memory_space<vmem>> -> memref<1x4x4x1024xf32, #tpu.memory_space<vmem>>
    %dma_start3A_48 = tpu.memref_squeeze %dma_start3A_47 : memref<1x4x4x1024xf32, #tpu.memory_space<vmem>> -> memref<4x4x1024xf32, #tpu.memory_space<vmem>>
    %dma_start3A_49 = arith.constant 0 : i32
    %dma_start3A_50 = arith.constant 0 : i32
    %dma_start3A_51 = tpu.memref_slice %arg2[%add3A_41, %dma_start3A_49, %dma_start3A_50] : memref<8192x4x1024xf32, #tpu.memory_space<hbm>> -> memref<4x4x1024xf32, #tpu.memory_space<hbm>>
    %dma_start3A_52 = tpu.memref_slice %arg8[%dma_start3A_43] : memref<2x!tpu.dma_semaphore, #tpu.memory_space<semaphore_mem>> -> memref<1x!tpu.dma_semaphore, #tpu.memory_space<semaphore_mem>>
    %dma_start3A_53 = tpu.memref_squeeze %dma_start3A_52 : memref<1x!tpu.dma_semaphore, #tpu.memory_space<semaphore_mem>> -> memref<!tpu.dma_semaphore, #tpu.memory_space<semaphore_mem>>
    %dma_start3A_54 = arith.constant 0 : i32
    %dma_start3A_55 = arith.constant 0 : i32
    %dma_start3A_56 = arith.constant 0 : i32
    %dma_start3A_57 = tpu.memref_slice %arg5[%dma_start3A_42, %dma_start3A_54, %dma_start3A_55, %dma_start3A_56] : memref<2x4x4x1024xf32, #tpu.memory_space<vmem>> -> memref<1x4x4x1024xf32, #tpu.memory_space<vmem>>
    %dma_start3A_58 = tpu.memref_squeeze %dma_start3A_57 : memref<1x4x4x1024xf32, #tpu.memory_space<vmem>> -> memref<4x4x1024xf32, #tpu.memory_space<vmem>>
    %dma_start3A_59 = arith.constant 0 : i32
    %dma_start3A_60 = arith.constant 0 : i32
    %dma_start3A_61 = tpu.memref_slice %arg2[%add3A_41, %dma_start3A_59, %dma_start3A_60] : memref<8192x4x1024xf32, #tpu.memory_space<hbm>> -> memref<4x4x1024xf32, #tpu.memory_space<hbm>>
    tpu.enqueue_dma source(%dma_start3A_61 : memref<4x4x1024xf32, #tpu.memory_space<hbm>>) target(%dma_start3A_58 : memref<4x4x1024xf32, #tpu.memory_space<vmem>>) target_semaphore(%dma_start3A_53 : memref<!tpu.dma_semaphore, #tpu.memory_space<semaphore_mem>>)
    %dma_start3A_62 = arith.constant 1 : i32
    %dma_start3A_63 = arith.constant 1 : i32
    %dma_start3A_64 = arith.constant 0 : i32
    %dma_start3A_65 = arith.constant 0 : i32
    %dma_start3A_66 = tpu.memref_slice %arg6[%dma_start3A_62, %dma_start3A_64, %dma_start3A_65] : memref<2x4x1024xf32, #tpu.memory_space<vmem>> -> memref<1x4x1024xf32, #tpu.memory_space<vmem>>
    %dma_start3A_67 = tpu.memref_squeeze %dma_start3A_66 : memref<1x4x1024xf32, #tpu.memory_space<vmem>> -> memref<4x1024xf32, #tpu.memory_space<vmem>>
    %dma_start3A_68 = arith.constant 0 : i32
    %dma_start3A_69 = tpu.memref_slice %arg3[%add3A_41, %dma_start3A_68] : memref<8192x1024xf32, #tpu.memory_space<hbm>> -> memref<4x1024xf32, #tpu.memory_space<hbm>>
    %dma_start3A_70 = tpu.memref_slice %arg9[%dma_start3A_63] : memref<2x!tpu.dma_semaphore, #tpu.memory_space<semaphore_mem>> -> memref<1x!tpu.dma_semaphore, #tpu.memory_space<semaphore_mem>>
    %dma_start3A_71 = tpu.memref_squeeze %dma_start3A_70 : memref<1x!tpu.dma_semaphore, #tpu.memory_space<semaphore_mem>> -> memref<!tpu.dma_semaphore, #tpu.memory_space<semaphore_mem>>
    %dma_start3A_72 = arith.constant 0 : i32
    %dma_start3A_73 = arith.constant 0 : i32
    %dma_start3A_74 = tpu.memref_slice %arg6[%dma_start3A_62, %dma_start3A_72, %dma_start3A_73] : memref<2x4x1024xf32, #tpu.memory_space<vmem>> -> memref<1x4x1024xf32, #tpu.memory_space<vmem>>
    %dma_start3A_75 = tpu.memref_squeeze %dma_start3A_74 : memref<1x4x1024xf32, #tpu.memory_space<vmem>> -> memref<4x1024xf32, #tpu.memory_space<vmem>>
    %dma_start3A_76 = arith.constant 0 : i32
    %dma_start3A_77 = tpu.memref_slice %arg3[%add3A_41, %dma_start3A_76] : memref<8192x1024xf32, #tpu.memory_space<hbm>> -> memref<4x1024xf32, #tpu.memory_space<hbm>>
    tpu.enqueue_dma source(%dma_start3A_77 : memref<4x1024xf32, #tpu.memory_space<hbm>>) target(%dma_start3A_75 : memref<4x1024xf32, #tpu.memory_space<vmem>>) target_semaphore(%dma_start3A_71 : memref<!tpu.dma_semaphore, #tpu.memory_space<semaphore_mem>>)
    %scan3A = arith.constant 0 : i32
    %scan3A_78 = arith.constant 64 : i32
    %scan3A_79 = arith.addi %scan3A, %scan3A_78 : i32
    %scan3A_80 = arith.constant 1 : i32
    scf.for %scan3A_126 = %scan3A to %scan3A_79 step %scan3A_80  : i32 {
      %mul3A_127 = arith.constant 1 : i32
      %mul3A_128 = arith.muli %scan3A_126, %mul3A_127 : i32
      %add3A_129 = arith.constant 0 : i32
      %add3A_130 = arith.addi %add3A_129, %mul3A_128 : i32
      %rem3A_131 = arith.constant 2 : i32
      %rem3A_132 = arith.remsi %add3A_130, %rem3A_131 : i32
      %mul3A_133 = arith.constant 4 : i32
      %mul3A_134 = arith.muli %add3A_130, %mul3A_133 : i32
      %add3A_135 = arith.addi %mul3A_2, %mul3A_134 : i32
      %dma_wait3A_136 = arith.constant 0 : i32
      %dma_wait3A_137 = arith.constant 0 : i32
      %dma_wait3A_138 = arith.constant 0 : i32
      %dma_wait3A_139 = tpu.memref_slice %arg5[%rem3A_132, %dma_wait3A_136, %dma_wait3A_137, %dma_wait3A_138] : memref<2x4x4x1024xf32, #tpu.memory_space<vmem>> -> memref<1x4x4x1024xf32, #tpu.memory_space<vmem>>
      %dma_wait3A_140 = tpu.memref_squeeze %dma_wait3A_139 : memref<1x4x4x1024xf32, #tpu.memory_space<vmem>> -> memref<4x4x1024xf32, #tpu.memory_space<vmem>>
      %dma_wait3A_141 = arith.constant 0 : i32
      %dma_wait3A_142 = arith.constant 0 : i32
      %dma_wait3A_143 = tpu.memref_slice %arg2[%add3A_135, %dma_wait3A_141, %dma_wait3A_142] : memref<8192x4x1024xf32, #tpu.memory_space<hbm>> -> memref<4x4x1024xf32, #tpu.memory_space<hbm>>
      %dma_wait3A_144 = tpu.memref_slice %arg8[%rem3A_132] : memref<2x!tpu.dma_semaphore, #tpu.memory_space<semaphore_mem>> -> memref<1x!tpu.dma_semaphore, #tpu.memory_space<semaphore_mem>>
      %dma_wait3A_145 = tpu.memref_squeeze %dma_wait3A_144 : memref<1x!tpu.dma_semaphore, #tpu.memory_space<semaphore_mem>> -> memref<!tpu.dma_semaphore, #tpu.memory_space<semaphore_mem>>
      %dma_wait3A_146 = arith.constant 0 : i32
      %dma_wait3A_147 = arith.constant 0 : i32
      %dma_wait3A_148 = arith.constant 0 : i32
      %dma_wait3A_149 = tpu.memref_slice %arg5[%rem3A_132, %dma_wait3A_146, %dma_wait3A_147, %dma_wait3A_148] : memref<2x4x4x1024xf32, #tpu.memory_space<vmem>> -> memref<1x4x4x1024xf32, #tpu.memory_space<vmem>>
      %dma_wait3A_150 = tpu.memref_squeeze %dma_wait3A_149 : memref<1x4x4x1024xf32, #tpu.memory_space<vmem>> -> memref<4x4x1024xf32, #tpu.memory_space<vmem>>
      %dma_wait3A_151 = arith.constant 0 : i32
      %dma_wait3A_152 = arith.constant 0 : i32
      %dma_wait3A_153 = tpu.memref_slice %arg2[%add3A_135, %dma_wait3A_151, %dma_wait3A_152] : memref<8192x4x1024xf32, #tpu.memory_space<hbm>> -> memref<4x4x1024xf32, #tpu.memory_space<hbm>>
      tpu.wait_dma2 semaphore(%dma_wait3A_145 : memref<!tpu.dma_semaphore, #tpu.memory_space<semaphore_mem>>) src(%dma_wait3A_153 : memref<4x4x1024xf32, #tpu.memory_space<hbm>>) dst(%dma_wait3A_150 : memref<4x4x1024xf32, #tpu.memory_space<vmem>>)
      %dma_wait3A_154 = arith.constant 0 : i32
      %dma_wait3A_155 = arith.constant 0 : i32
      %dma_wait3A_156 = tpu.memref_slice %arg6[%rem3A_132, %dma_wait3A_154, %dma_wait3A_155] : memref<2x4x1024xf32, #tpu.memory_space<vmem>> -> memref<1x4x1024xf32, #tpu.memory_space<vmem>>
      %dma_wait3A_157 = tpu.memref_squeeze %dma_wait3A_156 : memref<1x4x1024xf32, #tpu.memory_space<vmem>> -> memref<4x1024xf32, #tpu.memory_space<vmem>>
      %dma_wait3A_158 = arith.constant 0 : i32
      %dma_wait3A_159 = tpu.memref_slice %arg3[%add3A_135, %dma_wait3A_158] : memref<8192x1024xf32, #tpu.memory_space<hbm>> -> memref<4x1024xf32, #tpu.memory_space<hbm>>
      %dma_wait3A_160 = tpu.memref_slice %arg9[%rem3A_132] : memref<2x!tpu.dma_semaphore, #tpu.memory_space<semaphore_mem>> -> memref<1x!tpu.dma_semaphore, #tpu.memory_space<semaphore_mem>>
      %dma_wait3A_161 = tpu.memref_squeeze %dma_wait3A_160 : memref<1x!tpu.dma_semaphore, #tpu.memory_space<semaphore_mem>> -> memref<!tpu.dma_semaphore, #tpu.memory_space<semaphore_mem>>
      %dma_wait3A_162 = arith.constant 0 : i32
      %dma_wait3A_163 = arith.constant 0 : i32
      %dma_wait3A_164 = tpu.memref_slice %arg6[%rem3A_132, %dma_wait3A_162, %dma_wait3A_163] : memref<2x4x1024xf32, #tpu.memory_space<vmem>> -> memref<1x4x1024xf32, #tpu.memory_space<vmem>>
      %dma_wait3A_165 = tpu.memref_squeeze %dma_wait3A_164 : memref<1x4x1024xf32, #tpu.memory_space<vmem>> -> memref<4x1024xf32, #tpu.memory_space<vmem>>
      %dma_wait3A_166 = arith.constant 0 : i32
      %dma_wait3A_167 = tpu.memref_slice %arg3[%add3A_135, %dma_wait3A_166] : memref<8192x1024xf32, #tpu.memory_space<hbm>> -> memref<4x1024xf32, #tpu.memory_space<hbm>>
      tpu.wait_dma2 semaphore(%dma_wait3A_161 : memref<!tpu.dma_semaphore, #tpu.memory_space<semaphore_mem>>) src(%dma_wait3A_167 : memref<4x1024xf32, #tpu.memory_space<hbm>>) dst(%dma_wait3A_165 : memref<4x1024xf32, #tpu.memory_space<vmem>>)
      %ge3A = arith.constant 2 : i32
      %ge3A_168 = arith.cmpi sge, %add3A_130, %ge3A : i32
      %convert_element_type3A = arith.extui %ge3A_168 : i1 to i32
      %cond3A = arith.constant 0 : i32
      %cond3A_169 = arith.cmpi ne, %convert_element_type3A, %cond3A : i32
      scf.if %cond3A_169 {
        %sub3A = arith.constant 2 : i32
        %sub3A_217 = arith.subi %add3A_130, %sub3A : i32
        %mul3A_218 = arith.constant 4 : i32
        %mul3A_219 = arith.muli %sub3A_217, %mul3A_218 : i32
        %add3A_220 = arith.addi %mul3A_2, %mul3A_219 : i32
        %dma_wait3A_221 = arith.constant 0 : i32
        %dma_wait3A_222 = arith.constant 0 : i32
        %dma_wait3A_223 = arith.constant 0 : i32
        %dma_wait3A_224 = tpu.memref_slice %arg7[%rem3A_132, %dma_wait3A_221, %dma_wait3A_222, %dma_wait3A_223] : memref<2x4x4x1024xf32, #tpu.memory_space<vmem>> -> memref<1x4x4x1024xf32, #tpu.memory_space<vmem>>
        %dma_wait3A_225 = tpu.memref_squeeze %dma_wait3A_224 : memref<1x4x4x1024xf32, #tpu.memory_space<vmem>> -> memref<4x4x1024xf32, #tpu.memory_space<vmem>>
        %dma_wait3A_226 = arith.constant 0 : i32
        %dma_wait3A_227 = arith.constant 0 : i32
        %dma_wait3A_228 = tpu.memref_slice %arg4[%add3A_220, %dma_wait3A_226, %dma_wait3A_227] : memref<8192x4x1024xf32, #tpu.memory_space<hbm>> -> memref<4x4x1024xf32, #tpu.memory_space<hbm>>
        %dma_wait3A_229 = tpu.memref_slice %arg10[%rem3A_132] : memref<2x!tpu.dma_semaphore, #tpu.memory_space<semaphore_mem>> -> memref<1x!tpu.dma_semaphore, #tpu.memory_space<semaphore_mem>>
        %dma_wait3A_230 = tpu.memref_squeeze %dma_wait3A_229 : memref<1x!tpu.dma_semaphore, #tpu.memory_space<semaphore_mem>> -> memref<!tpu.dma_semaphore, #tpu.memory_space<semaphore_mem>>
        %dma_wait3A_231 = arith.constant 0 : i32
        %dma_wait3A_232 = arith.constant 0 : i32
        %dma_wait3A_233 = tpu.memref_slice %arg4[%add3A_220, %dma_wait3A_231, %dma_wait3A_232] : memref<8192x4x1024xf32, #tpu.memory_space<hbm>> -> memref<4x4x1024xf32, #tpu.memory_space<hbm>>
        %dma_wait3A_234 = arith.constant 0 : i32
        %dma_wait3A_235 = arith.constant 0 : i32
        %dma_wait3A_236 = arith.constant 0 : i32
        %dma_wait3A_237 = tpu.memref_slice %arg7[%rem3A_132, %dma_wait3A_234, %dma_wait3A_235, %dma_wait3A_236] : memref<2x4x4x1024xf32, #tpu.memory_space<vmem>> -> memref<1x4x4x1024xf32, #tpu.memory_space<vmem>>
        %dma_wait3A_238 = tpu.memref_squeeze %dma_wait3A_237 : memref<1x4x4x1024xf32, #tpu.memory_space<vmem>> -> memref<4x4x1024xf32, #tpu.memory_space<vmem>>
        tpu.wait_dma2 semaphore(%dma_wait3A_230 : memref<!tpu.dma_semaphore, #tpu.memory_space<semaphore_mem>>) src(%dma_wait3A_238 : memref<4x4x1024xf32, #tpu.memory_space<vmem>>) dst(%dma_wait3A_233 : memref<4x4x1024xf32, #tpu.memory_space<hbm>>)
      } else {
      }
      %scan3A_170 = arith.constant 0 : i32
      %scan3A_171 = arith.constant 64 : i32
      %scan3A_172 = arith.addi %scan3A_170, %scan3A_171 : i32
      %scan3A_173 = arith.constant 4 : i32
      scf.for %scan3A_217 = %scan3A_170 to %scan3A_172 step %scan3A_173  : i32 {
        %mul3A_218 = arith.constant 1 : i32
        %mul3A_219 = arith.muli %scan3A_217, %mul3A_218 : i32
        %add3A_220 = arith.constant 0 : i32
        %add3A_221 = arith.addi %add3A_220, %mul3A_219 : i32
        %mul3A_222 = arith.constant 16 : i32
        %mul3A_223 = arith.muli %add3A_221, %mul3A_222 : i32
        %get3A = arith.constant 0 : i32
        %get3A_224 = arith.index_cast %rem3A_132 : i32 to index
        %get3A_225 = arith.index_cast %get3A : i32 to index
        %get3A_226 = arith.index_cast %mul3A_223 : i32 to index
        %get3A_227 = tpu.vector_load %arg6[%get3A_224, %get3A_225, %get3A_226] {strides = array<i32>} : memref<2x4x1024xf32, #tpu.memory_space<vmem>>, vector<1x1x16xf32>,
        %get3A_228 = vector.shape_cast %get3A_227 : vector<1x1x16xf32> to vector<16xf32>
        %mul3A_229 = arith.constant 16 : i32
        %mul3A_230 = arith.muli %add3A_221, %mul3A_229 : i32
        %get3A_231 = arith.constant 0 : i32
        %get3A_232 = arith.constant 0 : i32
        %get3A_233 = arith.index_cast %rem3A_132 : i32 to index
        %get3A_234 = arith.index_cast %get3A_231 : i32 to index
        %get3A_235 = arith.index_cast %get3A_232 : i32 to index
        %get3A_236 = arith.index_cast %mul3A_230 : i32 to index
        %get3A_237 = tpu.vector_load %arg5[%get3A_233, %get3A_234, %get3A_235, %get3A_236] {strides = array<i32>} : memref<2x4x4x1024xf32, #tpu.memory_space<vmem>>, vector<1x1x1x16xf32>,
        %get3A_238 = vector.shape_cast %get3A_237 : vector<1x1x1x16xf32> to vector<16xf32>
        %add3A_239 = arith.addf %get3A_238, %get3A_228 : vector<16xf32>
        %mul3A_240 = arith.constant 16 : i32
        %mul3A_241 = arith.muli %add3A_221, %mul3A_240 : i32
        %swap3A = arith.constant 0 : i32
        %swap3A_242 = arith.constant 0 : i32
        %swap3A_243 = arith.index_cast %rem3A_132 : i32 to index
        %swap3A_244 = arith.index_cast %swap3A : i32 to index
        %swap3A_245 = arith.index_cast %swap3A_242 : i32 to index
        %swap3A_246 = arith.index_cast %mul3A_241 : i32 to index
        %swap3A_247 = tpu.vector_load %arg7[%swap3A_243, %swap3A_244, %swap3A_245, %swap3A_246] {strides = array<i32>} : memref<2x4x4x1024xf32, #tpu.memory_space<vmem>>, vector<1x1x1x16xf32>,
        %swap3A_248 = vector.shape_cast %swap3A_247 : vector<1x1x1x16xf32> to vector<16xf32>
        %swap3A_249 = vector.shape_cast %add3A_239 : vector<16xf32> to vector<1x1x1x16xf32>
        tpu.vector_store %arg7[%swap3A_243, %swap3A_244, %swap3A_245, %swap3A_246], %swap3A_249 {strides = array<i32>} : memref<2x4x4x1024xf32, #tpu.memory_space<vmem>>, vector<1x1x1x16xf32>,
        %mul3A_250 = arith.constant 16 : i32
        %mul3A_251 = arith.muli %add3A_221, %mul3A_250 : i32
        %get3A_252 = arith.constant 0 : i32
        %get3A_253 = arith.constant 1 : i32
        %get3A_254 = arith.index_cast %rem3A_132 : i32 to index
        %get3A_255 = arith.index_cast %get3A_252 : i32 to index
        %get3A_256 = arith.index_cast %get3A_253 : i32 to index
        %get3A_257 = arith.index_cast %mul3A_251 : i32 to index
        %get3A_258 = tpu.vector_load %arg5[%get3A_254, %get3A_255, %get3A_256, %get3A_257] {strides = array<i32>} : memref<2x4x4x1024xf32, #tpu.memory_space<vmem>>, vector<1x1x1x16xf32>,
        %get3A_259 = vector.shape_cast %get3A_258 : vector<1x1x1x16xf32> to vector<16xf32>
        %add3A_260 = arith.addf %get3A_259, %get3A_228 : vector<16xf32>
        %mul3A_261 = arith.constant 16 : i32
        %mul3A_262 = arith.muli %add3A_221, %mul3A_261 : i32
        %swap3A_263 = arith.constant 0 : i32
        %swap3A_264 = arith.constant 1 : i32
        %swap3A_265 = arith.index_cast %rem3A_132 : i32 to index
        %swap3A_266 = arith.index_cast %swap3A_263 : i32 to index
        %swap3A_267 = arith.index_cast %swap3A_264 : i32 to index
        %swap3A_268 = arith.index_cast %mul3A_262 : i32 to index
        %swap3A_269 = tpu.vector_load %arg7[%swap3A_265, %swap3A_266, %swap3A_267, %swap3A_268] {strides = array<i32>} : memref<2x4x4x1024xf32, #tpu.memory_space<vmem>>, vector<1x1x1x16xf32>,
        %swap3A_270 = vector.shape_cast %swap3A_269 : vector<1x1x1x16xf32> to vector<16xf32>
        %swap3A_271 = vector.shape_cast %add3A_260 : vector<16xf32> to vector<1x1x1x16xf32>
        tpu.vector_store %arg7[%swap3A_265, %swap3A_266, %swap3A_267, %swap3A_268], %swap3A_271 {strides = array<i32>} : memref<2x4x4x1024xf32, #tpu.memory_space<vmem>>, vector<1x1x1x16xf32>,
        %mul3A_272 = arith.constant 16 : i32
        %mul3A_273 = arith.muli %add3A_221, %mul3A_272 : i32
        %get3A_274 = arith.constant 0 : i32
        %get3A_275 = arith.constant 2 : i32
        %get3A_276 = arith.index_cast %rem3A_132 : i32 to index
        %get3A_277 = arith.index_cast %get3A_274 : i32 to index
        %get3A_278 = arith.index_cast %get3A_275 : i32 to index
        %get3A_279 = arith.index_cast %mul3A_273 : i32 to index
        %get3A_280 = tpu.vector_load %arg5[%get3A_276, %get3A_277, %get3A_278, %get3A_279] {strides = array<i32>} : memref<2x4x4x1024xf32, #tpu.memory_space<vmem>>, vector<1x1x1x16xf32>,
        %get3A_281 = vector.shape_cast %get3A_280 : vector<1x1x1x16xf32> to vector<16xf32>
        %add3A_282 = arith.addf %get3A_281, %get3A_228 : vector<16xf32>
        %mul3A_283 = arith.constant 16 : i32
        %mul3A_284 = arith.muli %add3A_221, %mul3A_283 : i32
        %swap3A_285 = arith.constant 0 : i32
        %swap3A_286 = arith.constant 2 : i32
        %swap3A_287 = arith.index_cast %rem3A_132 : i32 to index
        %swap3A_288 = arith.index_cast %swap3A_285 : i32 to index
        %swap3A_289 = arith.index_cast %swap3A_286 : i32 to index
        %swap3A_290 = arith.index_cast %mul3A_284 : i32 to index
        %swap3A_291 = tpu.vector_load %arg7[%swap3A_287, %swap3A_288, %swap3A_289, %swap3A_290] {strides = array<i32>} : memref<2x4x4x1024xf32, #tpu.memory_space<vmem>>, vector<1x1x1x16xf32>,
        %swap3A_292 = vector.shape_cast %swap3A_291 : vector<1x1x1x16xf32> to vector<16xf32>
        %swap3A_293 = vector.shape_cast %add3A_282 : vector<16xf32> to vector<1x1x1x16xf32>
        tpu.vector_store %arg7[%swap3A_287, %swap3A_288, %swap3A_289, %swap3A_290], %swap3A_293 {strides = array<i32>} : memref<2x4x4x1024xf32, #tpu.memory_space<vmem>>, vector<1x1x1x16xf32>,
        %mul3A_294 = arith.constant 16 : i32
        %mul3A_295 = arith.muli %add3A_221, %mul3A_294 : i32
        %get3A_296 = arith.constant 0 : i32
        %get3A_297 = arith.constant 3 : i32
        %get3A_298 = arith.index_cast %rem3A_132 : i32 to index
        %get3A_299 = arith.index_cast %get3A_296 : i32 to index
        %get3A_300 = arith.index_cast %get3A_297 : i32 to index
        %get3A_301 = arith.index_cast %mul3A_295 : i32 to index
        %get3A_302 = tpu.vector_load %arg5[%get3A_298, %get3A_299, %get3A_300, %get3A_301] {strides = array<i32>} : memref<2x4x4x1024xf32, #tpu.memory_space<vmem>>, vector<1x1x1x16xf32>,
        %get3A_303 = vector.shape_cast %get3A_302 : vector<1x1x1x16xf32> to vector<16xf32>
        %add3A_304 = arith.addf %get3A_303, %get3A_228 : vector<16xf32>
        %mul3A_305 = arith.constant 16 : i32
        %mul3A_306 = arith.muli %add3A_221, %mul3A_305 : i32
        %swap3A_307 = arith.constant 0 : i32
        %swap3A_308 = arith.constant 3 : i32
        %swap3A_309 = arith.index_cast %rem3A_132 : i32 to index
        %swap3A_310 = arith.index_cast %swap3A_307 : i32 to index
        %swap3A_311 = arith.index_cast %swap3A_308 : i32 to index
        %swap3A_312 = arith.index_cast %mul3A_306 : i32 to index
        %swap3A_313 = tpu.vector_load %arg7[%swap3A_309, %swap3A_310, %swap3A_311, %swap3A_312] {strides = array<i32>} : memref<2x4x4x1024xf32, #tpu.memory_space<vmem>>, vector<1x1x1x16xf32>,
        %swap3A_314 = vector.shape_cast %swap3A_313 : vector<1x1x1x16xf32> to vector<16xf32>
        %swap3A_315 = vector.shape_cast %add3A_304 : vector<16xf32> to vector<1x1x1x16xf32>
        tpu.vector_store %arg7[%swap3A_309, %swap3A_310, %swap3A_311, %swap3A_312], %swap3A_315 {strides = array<i32>} : memref<2x4x4x1024xf32, #tpu.memory_space<vmem>>, vector<1x1x1x16xf32>,
        %scan3A_316 = arith.constant 1 : i32
        %scan3A_317 = arith.addi %scan3A_217, %scan3A_316 : i32
        %mul3A_318 = arith.constant 1 : i32
        %mul3A_319 = arith.muli %scan3A_317, %mul3A_318 : i32
        %add3A_320 = arith.constant 0 : i32
        %add3A_321 = arith.addi %add3A_320, %mul3A_319 : i32
        %mul3A_322 = arith.constant 16 : i32
        %mul3A_323 = arith.muli %add3A_321, %mul3A_322 : i32
        %get3A_324 = arith.constant 0 : i32
        %get3A_325 = arith.index_cast %rem3A_132 : i32 to index
        %get3A_326 = arith.index_cast %get3A_324 : i32 to index
        %get3A_327 = arith.index_cast %mul3A_323 : i32 to index
        %get3A_328 = tpu.vector_load %arg6[%get3A_325, %get3A_326, %get3A_327] {strides = array<i32>} : memref<2x4x1024xf32, #tpu.memory_space<vmem>>, vector<1x1x16xf32>,
        %get3A_329 = vector.shape_cast %get3A_328 : vector<1x1x16xf32> to vector<16xf32>
        %mul3A_330 = arith.constant 16 : i32
        %mul3A_331 = arith.muli %add3A_321, %mul3A_330 : i32
        %get3A_332 = arith.constant 0 : i32
        %get3A_333 = arith.constant 0 : i32
        %get3A_334 = arith.index_cast %rem3A_132 : i32 to index
        %get3A_335 = arith.index_cast %get3A_332 : i32 to index
        %get3A_336 = arith.index_cast %get3A_333 : i32 to index
        %get3A_337 = arith.index_cast %mul3A_331 : i32 to index
        %get3A_338 = tpu.vector_load %arg5[%get3A_334, %get3A_335, %get3A_336, %get3A_337] {strides = array<i32>} : memref<2x4x4x1024xf32, #tpu.memory_space<vmem>>, vector<1x1x1x16xf32>,
        %get3A_339 = vector.shape_cast %get3A_338 : vector<1x1x1x16xf32> to vector<16xf32>
        %add3A_340 = arith.addf %get3A_339, %get3A_329 : vector<16xf32>
        %mul3A_341 = arith.constant 16 : i32
        %mul3A_342 = arith.muli %add3A_321, %mul3A_341 : i32
        %swap3A_343 = arith.constant 0 : i32
        %swap3A_344 = arith.constant 0 : i32
        %swap3A_345 = arith.index_cast %rem3A_132 : i32 to index
        %swap3A_346 = arith.index_cast %swap3A_343 : i32 to index
        %swap3A_347 = arith.index_cast %swap3A_344 : i32 to index
        %swap3A_348 = arith.index_cast %mul3A_342 : i32 to index
        %swap3A_349 = tpu.vector_load %arg7[%swap3A_345, %swap3A_346, %swap3A_347, %swap3A_348] {strides = array<i32>} : memref<2x4x4x1024xf32, #tpu.memory_space<vmem>>, vector<1x1x1x16xf32>,
        %swap3A_350 = vector.shape_cast %swap3A_349 : vector<1x1x1x16xf32> to vector<16xf32>
        %swap3A_351 = vector.shape_cast %add3A_340 : vector<16xf32> to vector<1x1x1x16xf32>
        tpu.vector_store %arg7[%swap3A_345, %swap3A_346, %swap3A_347, %swap3A_348], %swap3A_351 {strides = array<i32>} : memref<2x4x4x1024xf32, #tpu.memory_space<vmem>>, vector<1x1x1x16xf32>,
        %mul3A_352 = arith.constant 16 : i32
        %mul3A_353 = arith.muli %add3A_321, %mul3A_352 : i32
        %get3A_354 = arith.constant 0 : i32
        %get3A_355 = arith.constant 1 : i32
        %get3A_356 = arith.index_cast %rem3A_132 : i32 to index
        %get3A_357 = arith.index_cast %get3A_354 : i32 to index
        %get3A_358 = arith.index_cast %get3A_355 : i32 to index
        %get3A_359 = arith.index_cast %mul3A_353 : i32 to index
        %get3A_360 = tpu.vector_load %arg5[%get3A_356, %get3A_357, %get3A_358, %get3A_359] {strides = array<i32>} : memref<2x4x4x1024xf32, #tpu.memory_space<vmem>>, vector<1x1x1x16xf32>,
        %get3A_361 = vector.shape_cast %get3A_360 : vector<1x1x1x16xf32> to vector<16xf32>
        %add3A_362 = arith.addf %get3A_361, %get3A_329 : vector<16xf32>
        %mul3A_363 = arith.constant 16 : i32
        %mul3A_364 = arith.muli %add3A_321, %mul3A_363 : i32
        %swap3A_365 = arith.constant 0 : i32
        %swap3A_366 = arith.constant 1 : i32
        %swap3A_367 = arith.index_cast %rem3A_132 : i32 to index
        %swap3A_368 = arith.index_cast %swap3A_365 : i32 to index
        %swap3A_369 = arith.index_cast %swap3A_366 : i32 to index
        %swap3A_370 = arith.index_cast %mul3A_364 : i32 to index
        %swap3A_371 = tpu.vector_load %arg7[%swap3A_367, %swap3A_368, %swap3A_369, %swap3A_370] {strides = array<i32>} : memref<2x4x4x1024xf32, #tpu.memory_space<vmem>>, vector<1x1x1x16xf32>,
        %swap3A_372 = vector.shape_cast %swap3A_371 : vector<1x1x1x16xf32> to vector<16xf32>
        %swap3A_373 = vector.shape_cast %add3A_362 : vector<16xf32> to vector<1x1x1x16xf32>
        tpu.vector_store %arg7[%swap3A_367, %swap3A_368, %swap3A_369, %swap3A_370], %swap3A_373 {strides = array<i32>} : memref<2x4x4x1024xf32, #tpu.memory_space<vmem>>, vector<1x1x1x16xf32>,
        %mul3A_374 = arith.constant 16 : i32
        %mul3A_375 = arith.muli %add3A_321, %mul3A_374 : i32
        %get3A_376 = arith.constant 0 : i32
        %get3A_377 = arith.constant 2 : i32
        %get3A_378 = arith.index_cast %rem3A_132 : i32 to index
        %get3A_379 = arith.index_cast %get3A_376 : i32 to index
        %get3A_380 = arith.index_cast %get3A_377 : i32 to index
        %get3A_381 = arith.index_cast %mul3A_375 : i32 to index
        %get3A_382 = tpu.vector_load %arg5[%get3A_378, %get3A_379, %get3A_380, %get3A_381] {strides = array<i32>} : memref<2x4x4x1024xf32, #tpu.memory_space<vmem>>, vector<1x1x1x16xf32>,
        %get3A_383 = vector.shape_cast %get3A_382 : vector<1x1x1x16xf32> to vector<16xf32>
        %add3A_384 = arith.addf %get3A_383, %get3A_329 : vector<16xf32>
        %mul3A_385 = arith.constant 16 : i32
        %mul3A_386 = arith.muli %add3A_321, %mul3A_385 : i32
        %swap3A_387 = arith.constant 0 : i32
        %swap3A_388 = arith.constant 2 : i32
        %swap3A_389 = arith.index_cast %rem3A_132 : i32 to index
        %swap3A_390 = arith.index_cast %swap3A_387 : i32 to index
        %swap3A_391 = arith.index_cast %swap3A_388 : i32 to index
        %swap3A_392 = arith.index_cast %mul3A_386 : i32 to index
        %swap3A_393 = tpu.vector_load %arg7[%swap3A_389, %swap3A_390, %swap3A_391, %swap3A_392] {strides = array<i32>} : memref<2x4x4x1024xf32, #tpu.memory_space<vmem>>, vector<1x1x1x16xf32>,
        %swap3A_394 = vector.shape_cast %swap3A_393 : vector<1x1x1x16xf32> to vector<16xf32>
        %swap3A_395 = vector.shape_cast %add3A_384 : vector<16xf32> to vector<1x1x1x16xf32>
        tpu.vector_store %arg7[%swap3A_389, %swap3A_390, %swap3A_391, %swap3A_392], %swap3A_395 {strides = array<i32>} : memref<2x4x4x1024xf32, #tpu.memory_space<vmem>>, vector<1x1x1x16xf32>,
        %mul3A_396 = arith.constant 16 : i32
        %mul3A_397 = arith.muli %add3A_321, %mul3A_396 : i32
        %get3A_398 = arith.constant 0 : i32
        %get3A_399 = arith.constant 3 : i32
        %get3A_400 = arith.index_cast %rem3A_132 : i32 to index
        %get3A_401 = arith.index_cast %get3A_398 : i32 to index
        %get3A_402 = arith.index_cast %get3A_399 : i32 to index
        %get3A_403 = arith.index_cast %mul3A_397 : i32 to index
        %get3A_404 = tpu.vector_load %arg5[%get3A_400, %get3A_401, %get3A_402, %get3A_403] {strides = array<i32>} : memref<2x4x4x1024xf32, #tpu.memory_space<vmem>>, vector<1x1x1x16xf32>,
        %get3A_405 = vector.shape_cast %get3A_404 : vector<1x1x1x16xf32> to vector<16xf32>
        %add3A_406 = arith.addf %get3A_405, %get3A_329 : vector<16xf32>
        %mul3A_407 = arith.constant 16 : i32
        %mul3A_408 = arith.muli %add3A_321, %mul3A_407 : i32
        %swap3A_409 = arith.constant 0 : i32
        %swap3A_410 = arith.constant 3 : i32
        %swap3A_411 = arith.index_cast %rem3A_132 : i32 to index
        %swap3A_412 = arith.index_cast %swap3A_409 : i32 to index
        %swap3A_413 = arith.index_cast %swap3A_410 : i32 to index
        %swap3A_414 = arith.index_cast %mul3A_408 : i32 to index
        %swap3A_415 = tpu.vector_load %arg7[%swap3A_411, %swap3A_412, %swap3A_413, %swap3A_414] {strides = array<i32>} : memref<2x4x4x1024xf32, #tpu.memory_space<vmem>>, vector<1x1x1x16xf32>,
        %swap3A_416 = vector.shape_cast %swap3A_415 : vector<1x1x1x16xf32> to vector<16xf32>
        %swap3A_417 = vector.shape_cast %add3A_406 : vector<16xf32> to vector<1x1x1x16xf32>
        tpu.vector_store %arg7[%swap3A_411, %swap3A_412, %swap3A_413, %swap3A_414], %swap3A_417 {strides = array<i32>} : memref<2x4x4x1024xf32, #tpu.memory_space<vmem>>, vector<1x1x1x16xf32>,
        %scan3A_418 = arith.constant 2 : i32
        %scan3A_419 = arith.addi %scan3A_217, %scan3A_418 : i32
        %mul3A_420 = arith.constant 1 : i32
        %mul3A_421 = arith.muli %scan3A_419, %mul3A_420 : i32
        %add3A_422 = arith.constant 0 : i32
        %add3A_423 = arith.addi %add3A_422, %mul3A_421 : i32
        %mul3A_424 = arith.constant 16 : i32
        %mul3A_425 = arith.muli %add3A_423, %mul3A_424 : i32
        %get3A_426 = arith.constant 0 : i32
        %get3A_427 = arith.index_cast %rem3A_132 : i32 to index
        %get3A_428 = arith.index_cast %get3A_426 : i32 to index
        %get3A_429 = arith.index_cast %mul3A_425 : i32 to index
        %get3A_430 = tpu.vector_load %arg6[%get3A_427, %get3A_428, %get3A_429] {strides = array<i32>} : memref<2x4x1024xf32, #tpu.memory_space<vmem>>, vector<1x1x16xf32>,
        %get3A_431 = vector.shape_cast %get3A_430 : vector<1x1x16xf32> to vector<16xf32>
        %mul3A_432 = arith.constant 16 : i32
        %mul3A_433 = arith.muli %add3A_423, %mul3A_432 : i32
        %get3A_434 = arith.constant 0 : i32
        %get3A_435 = arith.constant 0 : i32
        %get3A_436 = arith.index_cast %rem3A_132 : i32 to index
        %get3A_437 = arith.index_cast %get3A_434 : i32 to index
        %get3A_438 = arith.index_cast %get3A_435 : i32 to index
        %get3A_439 = arith.index_cast %mul3A_433 : i32 to index
        %get3A_440 = tpu.vector_load %arg5[%get3A_436, %get3A_437, %get3A_438, %get3A_439] {strides = array<i32>} : memref<2x4x4x1024xf32, #tpu.memory_space<vmem>>, vector<1x1x1x16xf32>,
        %get3A_441 = vector.shape_cast %get3A_440 : vector<1x1x1x16xf32> to vector<16xf32>
        %add3A_442 = arith.addf %get3A_441, %get3A_431 : vector<16xf32>
        %mul3A_443 = arith.constant 16 : i32
        %mul3A_444 = arith.muli %add3A_423, %mul3A_443 : i32
        %swap3A_445 = arith.constant 0 : i32
        %swap3A_446 = arith.constant 0 : i32
        %swap3A_447 = arith.index_cast %rem3A_132 : i32 to index
        %swap3A_448 = arith.index_cast %swap3A_445 : i32 to index
        %swap3A_449 = arith.index_cast %swap3A_446 : i32 to index
        %swap3A_450 = arith.index_cast %mul3A_444 : i32 to index
        %swap3A_451 = tpu.vector_load %arg7[%swap3A_447, %swap3A_448, %swap3A_449, %swap3A_450] {strides = array<i32>} : memref<2x4x4x1024xf32, #tpu.memory_space<vmem>>, vector<1x1x1x16xf32>,
        %swap3A_452 = vector.shape_cast %swap3A_451 : vector<1x1x1x16xf32> to vector<16xf32>
        %swap3A_453 = vector.shape_cast %add3A_442 : vector<16xf32> to vector<1x1x1x16xf32>
        tpu.vector_store %arg7[%swap3A_447, %swap3A_448, %swap3A_449, %swap3A_450], %swap3A_453 {strides = array<i32>} : memref<2x4x4x1024xf32, #tpu.memory_space<vmem>>, vector<1x1x1x16xf32>,
        %mul3A_454 = arith.constant 16 : i32
        %mul3A_455 = arith.muli %add3A_423, %mul3A_454 : i32
        %get3A_456 = arith.constant 0 : i32
        %get3A_457 = arith.constant 1 : i32
        %get3A_458 = arith.index_cast %rem3A_132 : i32 to index
        %get3A_459 = arith.index_cast %get3A_456 : i32 to index
        %get3A_460 = arith.index_cast %get3A_457 : i32 to index
        %get3A_461 = arith.index_cast %mul3A_455 : i32 to index
        %get3A_462 = tpu.vector_load %arg5[%get3A_458, %get3A_459, %get3A_460, %get3A_461] {strides = array<i32>} : memref<2x4x4x1024xf32, #tpu.memory_space<vmem>>, vector<1x1x1x16xf32>,
        %get3A_463 = vector.shape_cast %get3A_462 : vector<1x1x1x16xf32> to vector<16xf32>
        %add3A_464 = arith.addf %get3A_463, %get3A_431 : vector<16xf32>
        %mul3A_465 = arith.constant 16 : i32
        %mul3A_466 = arith.muli %add3A_423, %mul3A_465 : i32
        %swap3A_467 = arith.constant 0 : i32
        %swap3A_468 = arith.constant 1 : i32
        %swap3A_469 = arith.index_cast %rem3A_132 : i32 to index
        %swap3A_470 = arith.index_cast %swap3A_467 : i32 to index
        %swap3A_471 = arith.index_cast %swap3A_468 : i32 to index
        %swap3A_472 = arith.index_cast %mul3A_466 : i32 to index
        %swap3A_473 = tpu.vector_load %arg7[%swap3A_469, %swap3A_470, %swap3A_471, %swap3A_472] {strides = array<i32>} : memref<2x4x4x1024xf32, #tpu.memory_space<vmem>>, vector<1x1x1x16xf32>,
        %swap3A_474 = vector.shape_cast %swap3A_473 : vector<1x1x1x16xf32> to vector<16xf32>
        %swap3A_475 = vector.shape_cast %add3A_464 : vector<16xf32> to vector<1x1x1x16xf32>
        tpu.vector_store %arg7[%swap3A_469, %swap3A_470, %swap3A_471, %swap3A_472], %swap3A_475 {strides = array<i32>} : memref<2x4x4x1024xf32, #tpu.memory_space<vmem>>, vector<1x1x1x16xf32>,
        %mul3A_476 = arith.constant 16 : i32
        %mul3A_477 = arith.muli %add3A_423, %mul3A_476 : i32
        %get3A_478 = arith.constant 0 : i32
        %get3A_479 = arith.constant 2 : i32
        %get3A_480 = arith.index_cast %rem3A_132 : i32 to index
        %get3A_481 = arith.index_cast %get3A_478 : i32 to index
        %get3A_482 = arith.index_cast %get3A_479 : i32 to index
        %get3A_483 = arith.index_cast %mul3A_477 : i32 to index
        %get3A_484 = tpu.vector_load %arg5[%get3A_480, %get3A_481, %get3A_482, %get3A_483] {strides = array<i32>} : memref<2x4x4x1024xf32, #tpu.memory_space<vmem>>, vector<1x1x1x16xf32>,
        %get3A_485 = vector.shape_cast %get3A_484 : vector<1x1x1x16xf32> to vector<16xf32>
        %add3A_486 = arith.addf %get3A_485, %get3A_431 : vector<16xf32>
        %mul3A_487 = arith.constant 16 : i32
        %mul3A_488 = arith.muli %add3A_423, %mul3A_487 : i32
        %swap3A_489 = arith.constant 0 : i32
        %swap3A_490 = arith.constant 2 : i32
        %swap3A_491 = arith.index_cast %rem3A_132 : i32 to index
        %swap3A_492 = arith.index_cast %swap3A_489 : i32 to index
        %swap3A_493 = arith.index_cast %swap3A_490 : i32 to index
        %swap3A_494 = arith.index_cast %mul3A_488 : i32 to index
        %swap3A_495 = tpu.vector_load %arg7[%swap3A_491, %swap3A_492, %swap3A_493, %swap3A_494] {strides = array<i32>} : memref<2x4x4x1024xf32, #tpu.memory_space<vmem>>, vector<1x1x1x16xf32>,
        %swap3A_496 = vector.shape_cast %swap3A_495 : vector<1x1x1x16xf32> to vector<16xf32>
        %swap3A_497 = vector.shape_cast %add3A_486 : vector<16xf32> to vector<1x1x1x16xf32>
        tpu.vector_store %arg7[%swap3A_491, %swap3A_492, %swap3A_493, %swap3A_494], %swap3A_497 {strides = array<i32>} : memref<2x4x4x1024xf32, #tpu.memory_space<vmem>>, vector<1x1x1x16xf32>,
        %mul3A_498 = arith.constant 16 : i32
        %mul3A_499 = arith.muli %add3A_423, %mul3A_498 : i32
        %get3A_500 = arith.constant 0 : i32
        %get3A_501 = arith.constant 3 : i32
        %get3A_502 = arith.index_cast %rem3A_132 : i32 to index
        %get3A_503 = arith.index_cast %get3A_500 : i32 to index
        %get3A_504 = arith.index_cast %get3A_501 : i32 to index
        %get3A_505 = arith.index_cast %mul3A_499 : i32 to index
        %get3A_506 = tpu.vector_load %arg5[%get3A_502, %get3A_503, %get3A_504, %get3A_505] {strides = array<i32>} : memref<2x4x4x1024xf32, #tpu.memory_space<vmem>>, vector<1x1x1x16xf32>,
        %get3A_507 = vector.shape_cast %get3A_506 : vector<1x1x1x16xf32> to vector<16xf32>
        %add3A_508 = arith.addf %get3A_507, %get3A_431 : vector<16xf32>
        %mul3A_509 = arith.constant 16 : i32
        %mul3A_510 = arith.muli %add3A_423, %mul3A_509 : i32
        %swap3A_511 = arith.constant 0 : i32
        %swap3A_512 = arith.constant 3 : i32
        %swap3A_513 = arith.index_cast %rem3A_132 : i32 to index
        %swap3A_514 = arith.index_cast %swap3A_511 : i32 to index
        %swap3A_515 = arith.index_cast %swap3A_512 : i32 to index
        %swap3A_516 = arith.index_cast %mul3A_510 : i32 to index
        %swap3A_517 = tpu.vector_load %arg7[%swap3A_513, %swap3A_514, %swap3A_515, %swap3A_516] {strides = array<i32>} : memref<2x4x4x1024xf32, #tpu.memory_space<vmem>>, vector<1x1x1x16xf32>,
        %swap3A_518 = vector.shape_cast %swap3A_517 : vector<1x1x1x16xf32> to vector<16xf32>
        %swap3A_519 = vector.shape_cast %add3A_508 : vector<16xf32> to vector<1x1x1x16xf32>
        tpu.vector_store %arg7[%swap3A_513, %swap3A_514, %swap3A_515, %swap3A_516], %swap3A_519 {strides = array<i32>} : memref<2x4x4x1024xf32, #tpu.memory_space<vmem>>, vector<1x1x1x16xf32>,
        %scan3A_520 = arith.constant 3 : i32
        %scan3A_521 = arith.addi %scan3A_217, %scan3A_520 : i32
        %mul3A_522 = arith.constant 1 : i32
        %mul3A_523 = arith.muli %scan3A_521, %mul3A_522 : i32
        %add3A_524 = arith.constant 0 : i32
        %add3A_525 = arith.addi %add3A_524, %mul3A_523 : i32
        %mul3A_526 = arith.constant 16 : i32
        %mul3A_527 = arith.muli %add3A_525, %mul3A_526 : i32
        %get3A_528 = arith.constant 0 : i32
        %get3A_529 = arith.index_cast %rem3A_132 : i32 to index
        %get3A_530 = arith.index_cast %get3A_528 : i32 to index
        %get3A_531 = arith.index_cast %mul3A_527 : i32 to index
        %get3A_532 = tpu.vector_load %arg6[%get3A_529, %get3A_530, %get3A_531] {strides = array<i32>} : memref<2x4x1024xf32, #tpu.memory_space<vmem>>, vector<1x1x16xf32>,
        %get3A_533 = vector.shape_cast %get3A_532 : vector<1x1x16xf32> to vector<16xf32>
        %mul3A_534 = arith.constant 16 : i32
        %mul3A_535 = arith.muli %add3A_525, %mul3A_534 : i32
        %get3A_536 = arith.constant 0 : i32
        %get3A_537 = arith.constant 0 : i32
        %get3A_538 = arith.index_cast %rem3A_132 : i32 to index
        %get3A_539 = arith.index_cast %get3A_536 : i32 to index
        %get3A_540 = arith.index_cast %get3A_537 : i32 to index
        %get3A_541 = arith.index_cast %mul3A_535 : i32 to index
        %get3A_542 = tpu.vector_load %arg5[%get3A_538, %get3A_539, %get3A_540, %get3A_541] {strides = array<i32>} : memref<2x4x4x1024xf32, #tpu.memory_space<vmem>>, vector<1x1x1x16xf32>,
        %get3A_543 = vector.shape_cast %get3A_542 : vector<1x1x1x16xf32> to vector<16xf32>
        %add3A_544 = arith.addf %get3A_543, %get3A_533 : vector<16xf32>
        %mul3A_545 = arith.constant 16 : i32
        %mul3A_546 = arith.muli %add3A_525, %mul3A_545 : i32
        %swap3A_547 = arith.constant 0 : i32
        %swap3A_548 = arith.constant 0 : i32
        %swap3A_549 = arith.index_cast %rem3A_132 : i32 to index
        %swap3A_550 = arith.index_cast %swap3A_547 : i32 to index
        %swap3A_551 = arith.index_cast %swap3A_548 : i32 to index
        %swap3A_552 = arith.index_cast %mul3A_546 : i32 to index
        %swap3A_553 = tpu.vector_load %arg7[%swap3A_549, %swap3A_550, %swap3A_551, %swap3A_552] {strides = array<i32>} : memref<2x4x4x1024xf32, #tpu.memory_space<vmem>>, vector<1x1x1x16xf32>,
        %swap3A_554 = vector.shape_cast %swap3A_553 : vector<1x1x1x16xf32> to vector<16xf32>
        %swap3A_555 = vector.shape_cast %add3A_544 : vector<16xf32> to vector<1x1x1x16xf32>
        tpu.vector_store %arg7[%swap3A_549, %swap3A_550, %swap3A_551, %swap3A_552], %swap3A_555 {strides = array<i32>} : memref<2x4x4x1024xf32, #tpu.memory_space<vmem>>, vector<1x1x1x16xf32>,
        %mul3A_556 = arith.constant 16 : i32
        %mul3A_557 = arith.muli %add3A_525, %mul3A_556 : i32
        %get3A_558 = arith.constant 0 : i32
        %get3A_559 = arith.constant 1 : i32
        %get3A_560 = arith.index_cast %rem3A_132 : i32 to index
        %get3A_561 = arith.index_cast %get3A_558 : i32 to index
        %get3A_562 = arith.index_cast %get3A_559 : i32 to index
        %get3A_563 = arith.index_cast %mul3A_557 : i32 to index
        %get3A_564 = tpu.vector_load %arg5[%get3A_560, %get3A_561, %get3A_562, %get3A_563] {strides = array<i32>} : memref<2x4x4x1024xf32, #tpu.memory_space<vmem>>, vector<1x1x1x16xf32>,
        %get3A_565 = vector.shape_cast %get3A_564 : vector<1x1x1x16xf32> to vector<16xf32>
        %add3A_566 = arith.addf %get3A_565, %get3A_533 : vector<16xf32>
        %mul3A_567 = arith.constant 16 : i32
        %mul3A_568 = arith.muli %add3A_525, %mul3A_567 : i32
        %swap3A_569 = arith.constant 0 : i32
        %swap3A_570 = arith.constant 1 : i32
        %swap3A_571 = arith.index_cast %rem3A_132 : i32 to index
        %swap3A_572 = arith.index_cast %swap3A_569 : i32 to index
        %swap3A_573 = arith.index_cast %swap3A_570 : i32 to index
        %swap3A_574 = arith.index_cast %mul3A_568 : i32 to index
        %swap3A_575 = tpu.vector_load %arg7[%swap3A_571, %swap3A_572, %swap3A_573, %swap3A_574] {strides = array<i32>} : memref<2x4x4x1024xf32, #tpu.memory_space<vmem>>, vector<1x1x1x16xf32>,
        %swap3A_576 = vector.shape_cast %swap3A_575 : vector<1x1x1x16xf32> to vector<16xf32>
        %swap3A_577 = vector.shape_cast %add3A_566 : vector<16xf32> to vector<1x1x1x16xf32>
        tpu.vector_store %arg7[%swap3A_571, %swap3A_572, %swap3A_573, %swap3A_574], %swap3A_577 {strides = array<i32>} : memref<2x4x4x1024xf32, #tpu.memory_space<vmem>>, vector<1x1x1x16xf32>,
        %mul3A_578 = arith.constant 16 : i32
        %mul3A_579 = arith.muli %add3A_525, %mul3A_578 : i32
        %get3A_580 = arith.constant 0 : i32
        %get3A_581 = arith.constant 2 : i32
        %get3A_582 = arith.index_cast %rem3A_132 : i32 to index
        %get3A_583 = arith.index_cast %get3A_580 : i32 to index
        %get3A_584 = arith.index_cast %get3A_581 : i32 to index
        %get3A_585 = arith.index_cast %mul3A_579 : i32 to index
        %get3A_586 = tpu.vector_load %arg5[%get3A_582, %get3A_583, %get3A_584, %get3A_585] {strides = array<i32>} : memref<2x4x4x1024xf32, #tpu.memory_space<vmem>>, vector<1x1x1x16xf32>,
        %get3A_587 = vector.shape_cast %get3A_586 : vector<1x1x1x16xf32> to vector<16xf32>
        %add3A_588 = arith.addf %get3A_587, %get3A_533 : vector<16xf32>
        %mul3A_589 = arith.constant 16 : i32
        %mul3A_590 = arith.muli %add3A_525, %mul3A_589 : i32
        %swap3A_591 = arith.constant 0 : i32
        %swap3A_592 = arith.constant 2 : i32
        %swap3A_593 = arith.index_cast %rem3A_132 : i32 to index
        %swap3A_594 = arith.index_cast %swap3A_591 : i32 to index
        %swap3A_595 = arith.index_cast %swap3A_592 : i32 to index
        %swap3A_596 = arith.index_cast %mul3A_590 : i32 to index
        %swap3A_597 = tpu.vector_load %arg7[%swap3A_593, %swap3A_594, %swap3A_595, %swap3A_596] {strides = array<i32>} : memref<2x4x4x1024xf32, #tpu.memory_space<vmem>>, vector<1x1x1x16xf32>,
        %swap3A_598 = vector.shape_cast %swap3A_597 : vector<1x1x1x16xf32> to vector<16xf32>
        %swap3A_599 = vector.shape_cast %add3A_588 : vector<16xf32> to vector<1x1x1x16xf32>
        tpu.vector_store %arg7[%swap3A_593, %swap3A_594, %swap3A_595, %swap3A_596], %swap3A_599 {strides = array<i32>} : memref<2x4x4x1024xf32, #tpu.memory_space<vmem>>, vector<1x1x1x16xf32>,
        %mul3A_600 = arith.constant 16 : i32
        %mul3A_601 = arith.muli %add3A_525, %mul3A_600 : i32
        %get3A_602 = arith.constant 0 : i32
        %get3A_603 = arith.constant 3 : i32
        %get3A_604 = arith.index_cast %rem3A_132 : i32 to index
        %get3A_605 = arith.index_cast %get3A_602 : i32 to index
        %get3A_606 = arith.index_cast %get3A_603 : i32 to index
        %get3A_607 = arith.index_cast %mul3A_601 : i32 to index
        %get3A_608 = tpu.vector_load %arg5[%get3A_604, %get3A_605, %get3A_606, %get3A_607] {strides = array<i32>} : memref<2x4x4x1024xf32, #tpu.memory_space<vmem>>, vector<1x1x1x16xf32>,
        %get3A_609 = vector.shape_cast %get3A_608 : vector<1x1x1x16xf32> to vector<16xf32>
        %add3A_610 = arith.addf %get3A_609, %get3A_533 : vector<16xf32>
        %mul3A_611 = arith.constant 16 : i32
        %mul3A_612 = arith.muli %add3A_525, %mul3A_611 : i32
        %swap3A_613 = arith.constant 0 : i32
        %swap3A_614 = arith.constant 3 : i32
        %swap3A_615 = arith.index_cast %rem3A_132 : i32 to index
        %swap3A_616 = arith.index_cast %swap3A_613 : i32 to index
        %swap3A_617 = arith.index_cast %swap3A_614 : i32 to index
        %swap3A_618 = arith.index_cast %mul3A_612 : i32 to index
        %swap3A_619 = tpu.vector_load %arg7[%swap3A_615, %swap3A_616, %swap3A_617, %swap3A_618] {strides = array<i32>} : memref<2x4x4x1024xf32, #tpu.memory_space<vmem>>, vector<1x1x1x16xf32>,
        %swap3A_620 = vector.shape_cast %swap3A_619 : vector<1x1x1x16xf32> to vector<16xf32>
        %swap3A_621 = vector.shape_cast %add3A_610 : vector<16xf32> to vector<1x1x1x16xf32>
        tpu.vector_store %arg7[%swap3A_615, %swap3A_616, %swap3A_617, %swap3A_618], %swap3A_621 {strides = array<i32>} : memref<2x4x4x1024xf32, #tpu.memory_space<vmem>>, vector<1x1x1x16xf32>,
      }
      %scan3A_174 = arith.constant 64 : i32
      %scan3A_175 = arith.constant 0 : i32
      %scan3A_176 = arith.constant 64 : i32
      %scan3A_177 = arith.addi %scan3A_175, %scan3A_176 : i32
      %scan3A_178 = arith.constant 4 : i32
      scf.for %scan3A_217 = %scan3A_175 to %scan3A_177 step %scan3A_178  : i32 {
        %mul3A_218 = arith.constant 1 : i32
        %mul3A_219 = arith.muli %scan3A_217, %mul3A_218 : i32
        %add3A_220 = arith.constant 0 : i32
        %add3A_221 = arith.addi %add3A_220, %mul3A_219 : i32
        %mul3A_222 = arith.constant 16 : i32
        %mul3A_223 = arith.muli %add3A_221, %mul3A_222 : i32
        %get3A = arith.constant 1 : i32
        %get3A_224 = arith.index_cast %rem3A_132 : i32 to index
        %get3A_225 = arith.index_cast %get3A : i32 to index
        %get3A_226 = arith.index_cast %mul3A_223 : i32 to index
        %get3A_227 = tpu.vector_load %arg6[%get3A_224, %get3A_225, %get3A_226] {strides = array<i32>} : memref<2x4x1024xf32, #tpu.memory_space<vmem>>, vector<1x1x16xf32>,
        %get3A_228 = vector.shape_cast %get3A_227 : vector<1x1x16xf32> to vector<16xf32>
        %mul3A_229 = arith.constant 16 : i32
        %mul3A_230 = arith.muli %add3A_221, %mul3A_229 : i32
        %get3A_231 = arith.constant 1 : i32
        %get3A_232 = arith.constant 0 : i32
        %get3A_233 = arith.index_cast %rem3A_132 : i32 to index
        %get3A_234 = arith.index_cast %get3A_231 : i32 to index
        %get3A_235 = arith.index_cast %get3A_232 : i32 to index
        %get3A_236 = arith.index_cast %mul3A_230 : i32 to index
        %get3A_237 = tpu.vector_load %arg5[%get3A_233, %get3A_234, %get3A_235, %get3A_236] {strides = array<i32>} : memref<2x4x4x1024xf32, #tpu.memory_space<vmem>>, vector<1x1x1x16xf32>,
        %get3A_238 = vector.shape_cast %get3A_237 : vector<1x1x1x16xf32> to vector<16xf32>
        %add3A_239 = arith.addf %get3A_238, %get3A_228 : vector<16xf32>
        %mul3A_240 = arith.constant 16 : i32
        %mul3A_241 = arith.muli %add3A_221, %mul3A_240 : i32
        %swap3A = arith.constant 1 : i32
        %swap3A_242 = arith.constant 0 : i32
        %swap3A_243 = arith.index_cast %rem3A_132 : i32 to index
        %swap3A_244 = arith.index_cast %swap3A : i32 to index
        %swap3A_245 = arith.index_cast %swap3A_242 : i32 to index
        %swap3A_246 = arith.index_cast %mul3A_241 : i32 to index
        %swap3A_247 = tpu.vector_load %arg7[%swap3A_243, %swap3A_244, %swap3A_245, %swap3A_246] {strides = array<i32>} : memref<2x4x4x1024xf32, #tpu.memory_space<vmem>>, vector<1x1x1x16xf32>,
        %swap3A_248 = vector.shape_cast %swap3A_247 : vector<1x1x1x16xf32> to vector<16xf32>
        %swap3A_249 = vector.shape_cast %add3A_239 : vector<16xf32> to vector<1x1x1x16xf32>
        tpu.vector_store %arg7[%swap3A_243, %swap3A_244, %swap3A_245, %swap3A_246], %swap3A_249 {strides = array<i32>} : memref<2x4x4x1024xf32, #tpu.memory_space<vmem>>, vector<1x1x1x16xf32>,
        %mul3A_250 = arith.constant 16 : i32
        %mul3A_251 = arith.muli %add3A_221, %mul3A_250 : i32
        %get3A_252 = arith.constant 1 : i32
        %get3A_253 = arith.constant 1 : i32
        %get3A_254 = arith.index_cast %rem3A_132 : i32 to index
        %get3A_255 = arith.index_cast %get3A_252 : i32 to index
        %get3A_256 = arith.index_cast %get3A_253 : i32 to index
        %get3A_257 = arith.index_cast %mul3A_251 : i32 to index
        %get3A_258 = tpu.vector_load %arg5[%get3A_254, %get3A_255, %get3A_256, %get3A_257] {strides = array<i32>} : memref<2x4x4x1024xf32, #tpu.memory_space<vmem>>, vector<1x1x1x16xf32>,
        %get3A_259 = vector.shape_cast %get3A_258 : vector<1x1x1x16xf32> to vector<16xf32>
        %add3A_260 = arith.addf %get3A_259, %get3A_228 : vector<16xf32>
        %mul3A_261 = arith.constant 16 : i32
        %mul3A_262 = arith.muli %add3A_221, %mul3A_261 : i32
        %swap3A_263 = arith.constant 1 : i32
        %swap3A_264 = arith.constant 1 : i32
        %swap3A_265 = arith.index_cast %rem3A_132 : i32 to index
        %swap3A_266 = arith.index_cast %swap3A_263 : i32 to index
        %swap3A_267 = arith.index_cast %swap3A_264 : i32 to index
        %swap3A_268 = arith.index_cast %mul3A_262 : i32 to index
        %swap3A_269 = tpu.vector_load %arg7[%swap3A_265, %swap3A_266, %swap3A_267, %swap3A_268] {strides = array<i32>} : memref<2x4x4x1024xf32, #tpu.memory_space<vmem>>, vector<1x1x1x16xf32>,
        %swap3A_270 = vector.shape_cast %swap3A_269 : vector<1x1x1x16xf32> to vector<16xf32>
        %swap3A_271 = vector.shape_cast %add3A_260 : vector<16xf32> to vector<1x1x1x16xf32>
        tpu.vector_store %arg7[%swap3A_265, %swap3A_266, %swap3A_267, %swap3A_268], %swap3A_271 {strides = array<i32>} : memref<2x4x4x1024xf32, #tpu.memory_space<vmem>>, vector<1x1x1x16xf32>,
        %mul3A_272 = arith.constant 16 : i32
        %mul3A_273 = arith.muli %add3A_221, %mul3A_272 : i32
        %get3A_274 = arith.constant 1 : i32
        %get3A_275 = arith.constant 2 : i32
        %get3A_276 = arith.index_cast %rem3A_132 : i32 to index
        %get3A_277 = arith.index_cast %get3A_274 : i32 to index
        %get3A_278 = arith.index_cast %get3A_275 : i32 to index
        %get3A_279 = arith.index_cast %mul3A_273 : i32 to index
        %get3A_280 = tpu.vector_load %arg5[%get3A_276, %get3A_277, %get3A_278, %get3A_279] {strides = array<i32>} : memref<2x4x4x1024xf32, #tpu.memory_space<vmem>>, vector<1x1x1x16xf32>,
        %get3A_281 = vector.shape_cast %get3A_280 : vector<1x1x1x16xf32> to vector<16xf32>
        %add3A_282 = arith.addf %get3A_281, %get3A_228 : vector<16xf32>
        %mul3A_283 = arith.constant 16 : i32
        %mul3A_284 = arith.muli %add3A_221, %mul3A_283 : i32
        %swap3A_285 = arith.constant 1 : i32
        %swap3A_286 = arith.constant 2 : i32
        %swap3A_287 = arith.index_cast %rem3A_132 : i32 to index
        %swap3A_288 = arith.index_cast %swap3A_285 : i32 to index
        %swap3A_289 = arith.index_cast %swap3A_286 : i32 to index
        %swap3A_290 = arith.index_cast %mul3A_284 : i32 to index
        %swap3A_291 = tpu.vector_load %arg7[%swap3A_287, %swap3A_288, %swap3A_289, %swap3A_290] {strides = array<i32>} : memref<2x4x4x1024xf32, #tpu.memory_space<vmem>>, vector<1x1x1x16xf32>,
        %swap3A_292 = vector.shape_cast %swap3A_291 : vector<1x1x1x16xf32> to vector<16xf32>
        %swap3A_293 = vector.shape_cast %add3A_282 : vector<16xf32> to vector<1x1x1x16xf32>
        tpu.vector_store %arg7[%swap3A_287, %swap3A_288, %swap3A_289, %swap3A_290], %swap3A_293 {strides = array<i32>} : memref<2x4x4x1024xf32, #tpu.memory_space<vmem>>, vector<1x1x1x16xf32>,
        %mul3A_294 = arith.constant 16 : i32
        %mul3A_295 = arith.muli %add3A_221, %mul3A_294 : i32
        %get3A_296 = arith.constant 1 : i32
        %get3A_297 = arith.constant 3 : i32
        %get3A_298 = arith.index_cast %rem3A_132 : i32 to index
        %get3A_299 = arith.index_cast %get3A_296 : i32 to index
        %get3A_300 = arith.index_cast %get3A_297 : i32 to index
        %get3A_301 = arith.index_cast %mul3A_295 : i32 to index
        %get3A_302 = tpu.vector_load %arg5[%get3A_298, %get3A_299, %get3A_300, %get3A_301] {strides = array<i32>} : memref<2x4x4x1024xf32, #tpu.memory_space<vmem>>, vector<1x1x1x16xf32>,
        %get3A_303 = vector.shape_cast %get3A_302 : vector<1x1x1x16xf32> to vector<16xf32>
        %add3A_304 = arith.addf %get3A_303, %get3A_228 : vector<16xf32>
        %mul3A_305 = arith.constant 16 : i32
        %mul3A_306 = arith.muli %add3A_221, %mul3A_305 : i32
        %swap3A_307 = arith.constant 1 : i32
        %swap3A_308 = arith.constant 3 : i32
        %swap3A_309 = arith.index_cast %rem3A_132 : i32 to index
        %swap3A_310 = arith.index_cast %swap3A_307 : i32 to index
        %swap3A_311 = arith.index_cast %swap3A_308 : i32 to index
        %swap3A_312 = arith.index_cast %mul3A_306 : i32 to index
        %swap3A_313 = tpu.vector_load %arg7[%swap3A_309, %swap3A_310, %swap3A_311, %swap3A_312] {strides = array<i32>} : memref<2x4x4x1024xf32, #tpu.memory_space<vmem>>, vector<1x1x1x16xf32>,
        %swap3A_314 = vector.shape_cast %swap3A_313 : vector<1x1x1x16xf32> to vector<16xf32>
        %swap3A_315 = vector.shape_cast %add3A_304 : vector<16xf32> to vector<1x1x1x16xf32>
        tpu.vector_store %arg7[%swap3A_309, %swap3A_310, %swap3A_311, %swap3A_312], %swap3A_315 {strides = array<i32>} : memref<2x4x4x1024xf32, #tpu.memory_space<vmem>>, vector<1x1x1x16xf32>,
        %scan3A_316 = arith.constant 1 : i32
        %scan3A_317 = arith.addi %scan3A_217, %scan3A_316 : i32
        %mul3A_318 = arith.constant 1 : i32
        %mul3A_319 = arith.muli %scan3A_317, %mul3A_318 : i32
        %add3A_320 = arith.constant 0 : i32
        %add3A_321 = arith.addi %add3A_320, %mul3A_319 : i32
        %mul3A_322 = arith.constant 16 : i32
        %mul3A_323 = arith.muli %add3A_321, %mul3A_322 : i32
        %get3A_324 = arith.constant 1 : i32
        %get3A_325 = arith.index_cast %rem3A_132 : i32 to index
        %get3A_326 = arith.index_cast %get3A_324 : i32 to index
        %get3A_327 = arith.index_cast %mul3A_323 : i32 to index
        %get3A_328 = tpu.vector_load %arg6[%get3A_325, %get3A_326, %get3A_327] {strides = array<i32>} : memref<2x4x1024xf32, #tpu.memory_space<vmem>>, vector<1x1x16xf32>,
        %get3A_329 = vector.shape_cast %get3A_328 : vector<1x1x16xf32> to vector<16xf32>
        %mul3A_330 = arith.constant 16 : i32
        %mul3A_331 = arith.muli %add3A_321, %mul3A_330 : i32
        %get3A_332 = arith.constant 1 : i32
        %get3A_333 = arith.constant 0 : i32
        %get3A_334 = arith.index_cast %rem3A_132 : i32 to index
        %get3A_335 = arith.index_cast %get3A_332 : i32 to index
        %get3A_336 = arith.index_cast %get3A_333 : i32 to index
        %get3A_337 = arith.index_cast %mul3A_331 : i32 to index
        %get3A_338 = tpu.vector_load %arg5[%get3A_334, %get3A_335, %get3A_336, %get3A_337] {strides = array<i32>} : memref<2x4x4x1024xf32, #tpu.memory_space<vmem>>, vector<1x1x1x16xf32>,
        %get3A_339 = vector.shape_cast %get3A_338 : vector<1x1x1x16xf32> to vector<16xf32>
        %add3A_340 = arith.addf %get3A_339, %get3A_329 : vector<16xf32>
        %mul3A_341 = arith.constant 16 : i32
        %mul3A_342 = arith.muli %add3A_321, %mul3A_341 : i32
        %swap3A_343 = arith.constant 1 : i32
        %swap3A_344 = arith.constant 0 : i32
        %swap3A_345 = arith.index_cast %rem3A_132 : i32 to index
        %swap3A_346 = arith.index_cast %swap3A_343 : i32 to index
        %swap3A_347 = arith.index_cast %swap3A_344 : i32 to index
        %swap3A_348 = arith.index_cast %mul3A_342 : i32 to index
        %swap3A_349 = tpu.vector_load %arg7[%swap3A_345, %swap3A_346, %swap3A_347, %swap3A_348] {strides = array<i32>} : memref<2x4x4x1024xf32, #tpu.memory_space<vmem>>, vector<1x1x1x16xf32>,
        %swap3A_350 = vector.shape_cast %swap3A_349 : vector<1x1x1x16xf32> to vector<16xf32>
        %swap3A_351 = vector.shape_cast %add3A_340 : vector<16xf32> to vector<1x1x1x16xf32>
        tpu.vector_store %arg7[%swap3A_345, %swap3A_346, %swap3A_347, %swap3A_348], %swap3A_351 {strides = array<i32>} : memref<2x4x4x1024xf32, #tpu.memory_space<vmem>>, vector<1x1x1x16xf32>,
        %mul3A_352 = arith.constant 16 : i32
        %mul3A_353 = arith.muli %add3A_321, %mul3A_352 : i32
        %get3A_354 = arith.constant 1 : i32
        %get3A_355 = arith.constant 1 : i32
        %get3A_356 = arith.index_cast %rem3A_132 : i32 to index
        %get3A_357 = arith.index_cast %get3A_354 : i32 to index
        %get3A_358 = arith.index_cast %get3A_355 : i32 to index
        %get3A_359 = arith.index_cast %mul3A_353 : i32 to index
        %get3A_360 = tpu.vector_load %arg5[%get3A_356, %get3A_357, %get3A_358, %get3A_359] {strides = array<i32>} : memref<2x4x4x1024xf32, #tpu.memory_space<vmem>>, vector<1x1x1x16xf32>,
        %get3A_361 = vector.shape_cast %get3A_360 : vector<1x1x1x16xf32> to vector<16xf32>
        %add3A_362 = arith.addf %get3A_361, %get3A_329 : vector<16xf32>
        %mul3A_363 = arith.constant 16 : i32
        %mul3A_364 = arith.muli %add3A_321, %mul3A_363 : i32
        %swap3A_365 = arith.constant 1 : i32
        %swap3A_366 = arith.constant 1 : i32
        %swap3A_367 = arith.index_cast %rem3A_132 : i32 to index
        %swap3A_368 = arith.index_cast %swap3A_365 : i32 to index
        %swap3A_369 = arith.index_cast %swap3A_366 : i32 to index
        %swap3A_370 = arith.index_cast %mul3A_364 : i32 to index
        %swap3A_371 = tpu.vector_load %arg7[%swap3A_367, %swap3A_368, %swap3A_369, %swap3A_370] {strides = array<i32>} : memref<2x4x4x1024xf32, #tpu.memory_space<vmem>>, vector<1x1x1x16xf32>,
        %swap3A_372 = vector.shape_cast %swap3A_371 : vector<1x1x1x16xf32> to vector<16xf32>
        %swap3A_373 = vector.shape_cast %add3A_362 : vector<16xf32> to vector<1x1x1x16xf32>
        tpu.vector_store %arg7[%swap3A_367, %swap3A_368, %swap3A_369, %swap3A_370], %swap3A_373 {strides = array<i32>} : memref<2x4x4x1024xf32, #tpu.memory_space<vmem>>, vector<1x1x1x16xf32>,
        %mul3A_374 = arith.constant 16 : i32
        %mul3A_375 = arith.muli %add3A_321, %mul3A_374 : i32
        %get3A_376 = arith.constant 1 : i32
        %get3A_377 = arith.constant 2 : i32
        %get3A_378 = arith.index_cast %rem3A_132 : i32 to index
        %get3A_379 = arith.index_cast %get3A_376 : i32 to index
        %get3A_380 = arith.index_cast %get3A_377 : i32 to index
        %get3A_381 = arith.index_cast %mul3A_375 : i32 to index
        %get3A_382 = tpu.vector_load %arg5[%get3A_378, %get3A_379, %get3A_380, %get3A_381] {strides = array<i32>} : memref<2x4x4x1024xf32, #tpu.memory_space<vmem>>, vector<1x1x1x16xf32>,
        %get3A_383 = vector.shape_cast %get3A_382 : vector<1x1x1x16xf32> to vector<16xf32>
        %add3A_384 = arith.addf %get3A_383, %get3A_329 : vector<16xf32>
        %mul3A_385 = arith.constant 16 : i32
        %mul3A_386 = arith.muli %add3A_321, %mul3A_385 : i32
        %swap3A_387 = arith.constant 1 : i32
        %swap3A_388 = arith.constant 2 : i32
        %swap3A_389 = arith.index_cast %rem3A_132 : i32 to index
        %swap3A_390 = arith.index_cast %swap3A_387 : i32 to index
        %swap3A_391 = arith.index_cast %swap3A_388 : i32 to index
        %swap3A_392 = arith.index_cast %mul3A_386 : i32 to index
        %swap3A_393 = tpu.vector_load %arg7[%swap3A_389, %swap3A_390, %swap3A_391, %swap3A_392] {strides = array<i32>} : memref<2x4x4x1024xf32, #tpu.memory_space<vmem>>, vector<1x1x1x16xf32>,
        %swap3A_394 = vector.shape_cast %swap3A_393 : vector<1x1x1x16xf32> to vector<16xf32>
        %swap3A_395 = vector.shape_cast %add3A_384 : vector<16xf32> to vector<1x1x1x16xf32>
        tpu.vector_store %arg7[%swap3A_389, %swap3A_390, %swap3A_391, %swap3A_392], %swap3A_395 {strides = array<i32>} : memref<2x4x4x1024xf32, #tpu.memory_space<vmem>>, vector<1x1x1x16xf32>,
        %mul3A_396 = arith.constant 16 : i32
        %mul3A_397 = arith.muli %add3A_321, %mul3A_396 : i32
        %get3A_398 = arith.constant 1 : i32
        %get3A_399 = arith.constant 3 : i32
        %get3A_400 = arith.index_cast %rem3A_132 : i32 to index
        %get3A_401 = arith.index_cast %get3A_398 : i32 to index
        %get3A_402 = arith.index_cast %get3A_399 : i32 to index
        %get3A_403 = arith.index_cast %mul3A_397 : i32 to index
        %get3A_404 = tpu.vector_load %arg5[%get3A_400, %get3A_401, %get3A_402, %get3A_403] {strides = array<i32>} : memref<2x4x4x1024xf32, #tpu.memory_space<vmem>>, vector<1x1x1x16xf32>,
        %get3A_405 = vector.shape_cast %get3A_404 : vector<1x1x1x16xf32> to vector<16xf32>
        %add3A_406 = arith.addf %get3A_405, %get3A_329 : vector<16xf32>
        %mul3A_407 = arith.constant 16 : i32
        %mul3A_408 = arith.muli %add3A_321, %mul3A_407 : i32
        %swap3A_409 = arith.constant 1 : i32
        %swap3A_410 = arith.constant 3 : i32
        %swap3A_411 = arith.index_cast %rem3A_132 : i32 to index
        %swap3A_412 = arith.index_cast %swap3A_409 : i32 to index
        %swap3A_413 = arith.index_cast %swap3A_410 : i32 to index
        %swap3A_414 = arith.index_cast %mul3A_408 : i32 to index
        %swap3A_415 = tpu.vector_load %arg7[%swap3A_411, %swap3A_412, %swap3A_413, %swap3A_414] {strides = array<i32>} : memref<2x4x4x1024xf32, #tpu.memory_space<vmem>>, vector<1x1x1x16xf32>,
        %swap3A_416 = vector.shape_cast %swap3A_415 : vector<1x1x1x16xf32> to vector<16xf32>
        %swap3A_417 = vector.shape_cast %add3A_406 : vector<16xf32> to vector<1x1x1x16xf32>
        tpu.vector_store %arg7[%swap3A_411, %swap3A_412, %swap3A_413, %swap3A_414], %swap3A_417 {strides = array<i32>} : memref<2x4x4x1024xf32, #tpu.memory_space<vmem>>, vector<1x1x1x16xf32>,
        %scan3A_418 = arith.constant 2 : i32
        %scan3A_419 = arith.addi %scan3A_217, %scan3A_418 : i32
        %mul3A_420 = arith.constant 1 : i32
        %mul3A_421 = arith.muli %scan3A_419, %mul3A_420 : i32
        %add3A_422 = arith.constant 0 : i32
        %add3A_423 = arith.addi %add3A_422, %mul3A_421 : i32
        %mul3A_424 = arith.constant 16 : i32
        %mul3A_425 = arith.muli %add3A_423, %mul3A_424 : i32
        %get3A_426 = arith.constant 1 : i32
        %get3A_427 = arith.index_cast %rem3A_132 : i32 to index
        %get3A_428 = arith.index_cast %get3A_426 : i32 to index
        %get3A_429 = arith.index_cast %mul3A_425 : i32 to index
        %get3A_430 = tpu.vector_load %arg6[%get3A_427, %get3A_428, %get3A_429] {strides = array<i32>} : memref<2x4x1024xf32, #tpu.memory_space<vmem>>, vector<1x1x16xf32>,
        %get3A_431 = vector.shape_cast %get3A_430 : vector<1x1x16xf32> to vector<16xf32>
        %mul3A_432 = arith.constant 16 : i32
        %mul3A_433 = arith.muli %add3A_423, %mul3A_432 : i32
        %get3A_434 = arith.constant 1 : i32
        %get3A_435 = arith.constant 0 : i32
        %get3A_436 = arith.index_cast %rem3A_132 : i32 to index
        %get3A_437 = arith.index_cast %get3A_434 : i32 to index
        %get3A_438 = arith.index_cast %get3A_435 : i32 to index
        %get3A_439 = arith.index_cast %mul3A_433 : i32 to index
        %get3A_440 = tpu.vector_load %arg5[%get3A_436, %get3A_437, %get3A_438, %get3A_439] {strides = array<i32>} : memref<2x4x4x1024xf32, #tpu.memory_space<vmem>>, vector<1x1x1x16xf32>,
        %get3A_441 = vector.shape_cast %get3A_440 : vector<1x1x1x16xf32> to vector<16xf32>
        %add3A_442 = arith.addf %get3A_441, %get3A_431 : vector<16xf32>
        %mul3A_443 = arith.constant 16 : i32
        %mul3A_444 = arith.muli %add3A_423, %mul3A_443 : i32
        %swap3A_445 = arith.constant 1 : i32
        %swap3A_446 = arith.constant 0 : i32
        %swap3A_447 = arith.index_cast %rem3A_132 : i32 to index
        %swap3A_448 = arith.index_cast %swap3A_445 : i32 to index
        %swap3A_449 = arith.index_cast %swap3A_446 : i32 to index
        %swap3A_450 = arith.index_cast %mul3A_444 : i32 to index
        %swap3A_451 = tpu.vector_load %arg7[%swap3A_447, %swap3A_448, %swap3A_449, %swap3A_450] {strides = array<i32>} : memref<2x4x4x1024xf32, #tpu.memory_space<vmem>>, vector<1x1x1x16xf32>,
        %swap3A_452 = vector.shape_cast %swap3A_451 : vector<1x1x1x16xf32> to vector<16xf32>
        %swap3A_453 = vector.shape_cast %add3A_442 : vector<16xf32> to vector<1x1x1x16xf32>
        tpu.vector_store %arg7[%swap3A_447, %swap3A_448, %swap3A_449, %swap3A_450], %swap3A_453 {strides = array<i32>} : memref<2x4x4x1024xf32, #tpu.memory_space<vmem>>, vector<1x1x1x16xf32>,
        %mul3A_454 = arith.constant 16 : i32
        %mul3A_455 = arith.muli %add3A_423, %mul3A_454 : i32
        %get3A_456 = arith.constant 1 : i32
        %get3A_457 = arith.constant 1 : i32
        %get3A_458 = arith.index_cast %rem3A_132 : i32 to index
        %get3A_459 = arith.index_cast %get3A_456 : i32 to index
        %get3A_460 = arith.index_cast %get3A_457 : i32 to index
        %get3A_461 = arith.index_cast %mul3A_455 : i32 to index
        %get3A_462 = tpu.vector_load %arg5[%get3A_458, %get3A_459, %get3A_460, %get3A_461] {strides = array<i32>} : memref<2x4x4x1024xf32, #tpu.memory_space<vmem>>, vector<1x1x1x16xf32>,
        %get3A_463 = vector.shape_cast %get3A_462 : vector<1x1x1x16xf32> to vector<16xf32>
        %add3A_464 = arith.addf %get3A_463, %get3A_431 : vector<16xf32>
        %mul3A_465 = arith.constant 16 : i32
        %mul3A_466 = arith.muli %add3A_423, %mul3A_465 : i32
        %swap3A_467 = arith.constant 1 : i32
        %swap3A_468 = arith.constant 1 : i32
        %swap3A_469 = arith.index_cast %rem3A_132 : i32 to index
        %swap3A_470 = arith.index_cast %swap3A_467 : i32 to index
        %swap3A_471 = arith.index_cast %swap3A_468 : i32 to index
        %swap3A_472 = arith.index_cast %mul3A_466 : i32 to index
        %swap3A_473 = tpu.vector_load %arg7[%swap3A_469, %swap3A_470, %swap3A_471, %swap3A_472] {strides = array<i32>} : memref<2x4x4x1024xf32, #tpu.memory_space<vmem>>, vector<1x1x1x16xf32>,
        %swap3A_474 = vector.shape_cast %swap3A_473 : vector<1x1x1x16xf32> to vector<16xf32>
        %swap3A_475 = vector.shape_cast %add3A_464 : vector<16xf32> to vector<1x1x1x16xf32>
        tpu.vector_store %arg7[%swap3A_469, %swap3A_470, %swap3A_471, %swap3A_472], %swap3A_475 {strides = array<i32>} : memref<2x4x4x1024xf32, #tpu.memory_space<vmem>>, vector<1x1x1x16xf32>,
        %mul3A_476 = arith.constant 16 : i32
        %mul3A_477 = arith.muli %add3A_423, %mul3A_476 : i32
        %get3A_478 = arith.constant 1 : i32
        %get3A_479 = arith.constant 2 : i32
        %get3A_480 = arith.index_cast %rem3A_132 : i32 to index
        %get3A_481 = arith.index_cast %get3A_478 : i32 to index
        %get3A_482 = arith.index_cast %get3A_479 : i32 to index
        %get3A_483 = arith.index_cast %mul3A_477 : i32 to index
        %get3A_484 = tpu.vector_load %arg5[%get3A_480, %get3A_481, %get3A_482, %get3A_483] {strides = array<i32>} : memref<2x4x4x1024xf32, #tpu.memory_space<vmem>>, vector<1x1x1x16xf32>,
        %get3A_485 = vector.shape_cast %get3A_484 : vector<1x1x1x16xf32> to vector<16xf32>
        %add3A_486 = arith.addf %get3A_485, %get3A_431 : vector<16xf32>
        %mul3A_487 = arith.constant 16 : i32
        %mul3A_488 = arith.muli %add3A_423, %mul3A_487 : i32
        %swap3A_489 = arith.constant 1 : i32
        %swap3A_490 = arith.constant 2 : i32
        %swap3A_491 = arith.index_cast %rem3A_132 : i32 to index
        %swap3A_492 = arith.index_cast %swap3A_489 : i32 to index
        %swap3A_493 = arith.index_cast %swap3A_490 : i32 to index
        %swap3A_494 = arith.index_cast %mul3A_488 : i32 to index
        %swap3A_495 = tpu.vector_load %arg7[%swap3A_491, %swap3A_492, %swap3A_493, %swap3A_494] {strides = array<i32>} : memref<2x4x4x1024xf32, #tpu.memory_space<vmem>>, vector<1x1x1x16xf32>,
        %swap3A_496 = vector.shape_cast %swap3A_495 : vector<1x1x1x16xf32> to vector<16xf32>
        %swap3A_497 = vector.shape_cast %add3A_486 : vector<16xf32> to vector<1x1x1x16xf32>
        tpu.vector_store %arg7[%swap3A_491, %swap3A_492, %swap3A_493, %swap3A_494], %swap3A_497 {strides = array<i32>} : memref<2x4x4x1024xf32, #tpu.memory_space<vmem>>, vector<1x1x1x16xf32>,
        %mul3A_498 = arith.constant 16 : i32
        %mul3A_499 = arith.muli %add3A_423, %mul3A_498 : i32
        %get3A_500 = arith.constant 1 : i32
        %get3A_501 = arith.constant 3 : i32
        %get3A_502 = arith.index_cast %rem3A_132 : i32 to index
        %get3A_503 = arith.index_cast %get3A_500 : i32 to index
        %get3A_504 = arith.index_cast %get3A_501 : i32 to index
        %get3A_505 = arith.index_cast %mul3A_499 : i32 to index
        %get3A_506 = tpu.vector_load %arg5[%get3A_502, %get3A_503, %get3A_504, %get3A_505] {strides = array<i32>} : memref<2x4x4x1024xf32, #tpu.memory_space<vmem>>, vector<1x1x1x16xf32>,
        %get3A_507 = vector.shape_cast %get3A_506 : vector<1x1x1x16xf32> to vector<16xf32>
        %add3A_508 = arith.addf %get3A_507, %get3A_431 : vector<16xf32>
        %mul3A_509 = arith.constant 16 : i32
        %mul3A_510 = arith.muli %add3A_423, %mul3A_509 : i32
        %swap3A_511 = arith.constant 1 : i32
        %swap3A_512 = arith.constant 3 : i32
        %swap3A_513 = arith.index_cast %rem3A_132 : i32 to index
        %swap3A_514 = arith.index_cast %swap3A_511 : i32 to index
        %swap3A_515 = arith.index_cast %swap3A_512 : i32 to index
        %swap3A_516 = arith.index_cast %mul3A_510 : i32 to index
        %swap3A_517 = tpu.vector_load %arg7[%swap3A_513, %swap3A_514, %swap3A_515, %swap3A_516] {strides = array<i32>} : memref<2x4x4x1024xf32, #tpu.memory_space<vmem>>, vector<1x1x1x16xf32>,
        %swap3A_518 = vector.shape_cast %swap3A_517 : vector<1x1x1x16xf32> to vector<16xf32>
        %swap3A_519 = vector.shape_cast %add3A_508 : vector<16xf32> to vector<1x1x1x16xf32>
        tpu.vector_store %arg7[%swap3A_513, %swap3A_514, %swap3A_515, %swap3A_516], %swap3A_519 {strides = array<i32>} : memref<2x4x4x1024xf32, #tpu.memory_space<vmem>>, vector<1x1x1x16xf32>,
        %scan3A_520 = arith.constant 3 : i32
        %scan3A_521 = arith.addi %scan3A_217, %scan3A_520 : i32
        %mul3A_522 = arith.constant 1 : i32
        %mul3A_523 = arith.muli %scan3A_521, %mul3A_522 : i32
        %add3A_524 = arith.constant 0 : i32
        %add3A_525 = arith.addi %add3A_524, %mul3A_523 : i32
        %mul3A_526 = arith.constant 16 : i32
        %mul3A_527 = arith.muli %add3A_525, %mul3A_526 : i32
        %get3A_528 = arith.constant 1 : i32
        %get3A_529 = arith.index_cast %rem3A_132 : i32 to index
        %get3A_530 = arith.index_cast %get3A_528 : i32 to index
        %get3A_531 = arith.index_cast %mul3A_527 : i32 to index
        %get3A_532 = tpu.vector_load %arg6[%get3A_529, %get3A_530, %get3A_531] {strides = array<i32>} : memref<2x4x1024xf32, #tpu.memory_space<vmem>>, vector<1x1x16xf32>,
        %get3A_533 = vector.shape_cast %get3A_532 : vector<1x1x16xf32> to vector<16xf32>
        %mul3A_534 = arith.constant 16 : i32
        %mul3A_535 = arith.muli %add3A_525, %mul3A_534 : i32
        %get3A_536 = arith.constant 1 : i32
        %get3A_537 = arith.constant 0 : i32
        %get3A_538 = arith.index_cast %rem3A_132 : i32 to index
        %get3A_539 = arith.index_cast %get3A_536 : i32 to index
        %get3A_540 = arith.index_cast %get3A_537 : i32 to index
        %get3A_541 = arith.index_cast %mul3A_535 : i32 to index
        %get3A_542 = tpu.vector_load %arg5[%get3A_538, %get3A_539, %get3A_540, %get3A_541] {strides = array<i32>} : memref<2x4x4x1024xf32, #tpu.memory_space<vmem>>, vector<1x1x1x16xf32>,
        %get3A_543 = vector.shape_cast %get3A_542 : vector<1x1x1x16xf32> to vector<16xf32>
        %add3A_544 = arith.addf %get3A_543, %get3A_533 : vector<16xf32>
        %mul3A_545 = arith.constant 16 : i32
        %mul3A_546 = arith.muli %add3A_525, %mul3A_545 : i32
        %swap3A_547 = arith.constant 1 : i32
        %swap3A_548 = arith.constant 0 : i32
        %swap3A_549 = arith.index_cast %rem3A_132 : i32 to index
        %swap3A_550 = arith.index_cast %swap3A_547 : i32 to index
        %swap3A_551 = arith.index_cast %swap3A_548 : i32 to index
        %swap3A_552 = arith.index_cast %mul3A_546 : i32 to index
        %swap3A_553 = tpu.vector_load %arg7[%swap3A_549, %swap3A_550, %swap3A_551, %swap3A_552] {strides = array<i32>} : memref<2x4x4x1024xf32, #tpu.memory_space<vmem>>, vector<1x1x1x16xf32>,
        %swap3A_554 = vector.shape_cast %swap3A_553 : vector<1x1x1x16xf32> to vector<16xf32>
        %swap3A_555 = vector.shape_cast %add3A_544 : vector<16xf32> to vector<1x1x1x16xf32>
        tpu.vector_store %arg7[%swap3A_549, %swap3A_550, %swap3A_551, %swap3A_552], %swap3A_555 {strides = array<i32>} : memref<2x4x4x1024xf32, #tpu.memory_space<vmem>>, vector<1x1x1x16xf32>,
        %mul3A_556 = arith.constant 16 : i32
        %mul3A_557 = arith.muli %add3A_525, %mul3A_556 : i32
        %get3A_558 = arith.constant 1 : i32
        %get3A_559 = arith.constant 1 : i32
        %get3A_560 = arith.index_cast %rem3A_132 : i32 to index
        %get3A_561 = arith.index_cast %get3A_558 : i32 to index
        %get3A_562 = arith.index_cast %get3A_559 : i32 to index
        %get3A_563 = arith.index_cast %mul3A_557 : i32 to index
        %get3A_564 = tpu.vector_load %arg5[%get3A_560, %get3A_561, %get3A_562, %get3A_563] {strides = array<i32>} : memref<2x4x4x1024xf32, #tpu.memory_space<vmem>>, vector<1x1x1x16xf32>,
        %get3A_565 = vector.shape_cast %get3A_564 : vector<1x1x1x16xf32> to vector<16xf32>
        %add3A_566 = arith.addf %get3A_565, %get3A_533 : vector<16xf32>
        %mul3A_567 = arith.constant 16 : i32
        %mul3A_568 = arith.muli %add3A_525, %mul3A_567 : i32
        %swap3A_569 = arith.constant 1 : i32
        %swap3A_570 = arith.constant 1 : i32
        %swap3A_571 = arith.index_cast %rem3A_132 : i32 to index
        %swap3A_572 = arith.index_cast %swap3A_569 : i32 to index
        %swap3A_573 = arith.index_cast %swap3A_570 : i32 to index
        %swap3A_574 = arith.index_cast %mul3A_568 : i32 to index
        %swap3A_575 = tpu.vector_load %arg7[%swap3A_571, %swap3A_572, %swap3A_573, %swap3A_574] {strides = array<i32>} : memref<2x4x4x1024xf32, #tpu.memory_space<vmem>>, vector<1x1x1x16xf32>,
        %swap3A_576 = vector.shape_cast %swap3A_575 : vector<1x1x1x16xf32> to vector<16xf32>
        %swap3A_577 = vector.shape_cast %add3A_566 : vector<16xf32> to vector<1x1x1x16xf32>
        tpu.vector_store %arg7[%swap3A_571, %swap3A_572, %swap3A_573, %swap3A_574], %swap3A_577 {strides = array<i32>} : memref<2x4x4x1024xf32, #tpu.memory_space<vmem>>, vector<1x1x1x16xf32>,
        %mul3A_578 = arith.constant 16 : i32
        %mul3A_579 = arith.muli %add3A_525, %mul3A_578 : i32
        %get3A_580 = arith.constant 1 : i32
        %get3A_581 = arith.constant 2 : i32
        %get3A_582 = arith.index_cast %rem3A_132 : i32 to index
        %get3A_583 = arith.index_cast %get3A_580 : i32 to index
        %get3A_584 = arith.index_cast %get3A_581 : i32 to index
        %get3A_585 = arith.index_cast %mul3A_579 : i32 to index
        %get3A_586 = tpu.vector_load %arg5[%get3A_582, %get3A_583, %get3A_584, %get3A_585] {strides = array<i32>} : memref<2x4x4x1024xf32, #tpu.memory_space<vmem>>, vector<1x1x1x16xf32>,
        %get3A_587 = vector.shape_cast %get3A_586 : vector<1x1x1x16xf32> to vector<16xf32>
        %add3A_588 = arith.addf %get3A_587, %get3A_533 : vector<16xf32>
        %mul3A_589 = arith.constant 16 : i32
        %mul3A_590 = arith.muli %add3A_525, %mul3A_589 : i32
        %swap3A_591 = arith.constant 1 : i32
        %swap3A_592 = arith.constant 2 : i32
        %swap3A_593 = arith.index_cast %rem3A_132 : i32 to index
        %swap3A_594 = arith.index_cast %swap3A_591 : i32 to index
        %swap3A_595 = arith.index_cast %swap3A_592 : i32 to index
        %swap3A_596 = arith.index_cast %mul3A_590 : i32 to index
        %swap3A_597 = tpu.vector_load %arg7[%swap3A_593, %swap3A_594, %swap3A_595, %swap3A_596] {strides = array<i32>} : memref<2x4x4x1024xf32, #tpu.memory_space<vmem>>, vector<1x1x1x16xf32>,
        %swap3A_598 = vector.shape_cast %swap3A_597 : vector<1x1x1x16xf32> to vector<16xf32>
        %swap3A_599 = vector.shape_cast %add3A_588 : vector<16xf32> to vector<1x1x1x16xf32>
        tpu.vector_store %arg7[%swap3A_593, %swap3A_594, %swap3A_595, %swap3A_596], %swap3A_599 {strides = array<i32>} : memref<2x4x4x1024xf32, #tpu.memory_space<vmem>>, vector<1x1x1x16xf32>,
        %mul3A_600 = arith.constant 16 : i32
        %mul3A_601 = arith.muli %add3A_525, %mul3A_600 : i32
        %get3A_602 = arith.constant 1 : i32
        %get3A_603 = arith.constant 3 : i32
        %get3A_604 = arith.index_cast %rem3A_132 : i32 to index
        %get3A_605 = arith.index_cast %get3A_602 : i32 to index
        %get3A_606 = arith.index_cast %get3A_603 : i32 to index
        %get3A_607 = arith.index_cast %mul3A_601 : i32 to index
        %get3A_608 = tpu.vector_load %arg5[%get3A_604, %get3A_605, %get3A_606, %get3A_607] {strides = array<i32>} : memref<2x4x4x1024xf32, #tpu.memory_space<vmem>>, vector<1x1x1x16xf32>,
        %get3A_609 = vector.shape_cast %get3A_608 : vector<1x1x1x16xf32> to vector<16xf32>
        %add3A_610 = arith.addf %get3A_609, %get3A_533 : vector<16xf32>
        %mul3A_611 = arith.constant 16 : i32
        %mul3A_612 = arith.muli %add3A_525, %mul3A_611 : i32
        %swap3A_613 = arith.constant 1 : i32
        %swap3A_614 = arith.constant 3 : i32
        %swap3A_615 = arith.index_cast %rem3A_132 : i32 to index
        %swap3A_616 = arith.index_cast %swap3A_613 : i32 to index
        %swap3A_617 = arith.index_cast %swap3A_614 : i32 to index
        %swap3A_618 = arith.index_cast %mul3A_612 : i32 to index
        %swap3A_619 = tpu.vector_load %arg7[%swap3A_615, %swap3A_616, %swap3A_617, %swap3A_618] {strides = array<i32>} : memref<2x4x4x1024xf32, #tpu.memory_space<vmem>>, vector<1x1x1x16xf32>,
        %swap3A_620 = vector.shape_cast %swap3A_619 : vector<1x1x1x16xf32> to vector<16xf32>
        %swap3A_621 = vector.shape_cast %add3A_610 : vector<16xf32> to vector<1x1x1x16xf32>
        tpu.vector_store %arg7[%swap3A_615, %swap3A_616, %swap3A_617, %swap3A_618], %swap3A_621 {strides = array<i32>} : memref<2x4x4x1024xf32, #tpu.memory_space<vmem>>, vector<1x1x1x16xf32>,
      }
      %scan3A_179 = arith.constant 64 : i32
      %scan3A_180 = arith.constant 0 : i32
      %scan3A_181 = arith.constant 64 : i32
      %scan3A_182 = arith.addi %scan3A_180, %scan3A_181 : i32
      %scan3A_183 = arith.constant 4 : i32
      scf.for %scan3A_217 = %scan3A_180 to %scan3A_182 step %scan3A_183  : i32 {
        %mul3A_218 = arith.constant 1 : i32
        %mul3A_219 = arith.muli %scan3A_217, %mul3A_218 : i32
        %add3A_220 = arith.constant 0 : i32
        %add3A_221 = arith.addi %add3A_220, %mul3A_219 : i32
        %mul3A_222 = arith.constant 16 : i32
        %mul3A_223 = arith.muli %add3A_221, %mul3A_222 : i32
        %get3A = arith.constant 2 : i32
        %get3A_224 = arith.index_cast %rem3A_132 : i32 to index
        %get3A_225 = arith.index_cast %get3A : i32 to index
        %get3A_226 = arith.index_cast %mul3A_223 : i32 to index
        %get3A_227 = tpu.vector_load %arg6[%get3A_224, %get3A_225, %get3A_226] {strides = array<i32>} : memref<2x4x1024xf32, #tpu.memory_space<vmem>>, vector<1x1x16xf32>,
        %get3A_228 = vector.shape_cast %get3A_227 : vector<1x1x16xf32> to vector<16xf32>
        %mul3A_229 = arith.constant 16 : i32
        %mul3A_230 = arith.muli %add3A_221, %mul3A_229 : i32
        %get3A_231 = arith.constant 2 : i32
        %get3A_232 = arith.constant 0 : i32
        %get3A_233 = arith.index_cast %rem3A_132 : i32 to index
        %get3A_234 = arith.index_cast %get3A_231 : i32 to index
        %get3A_235 = arith.index_cast %get3A_232 : i32 to index
        %get3A_236 = arith.index_cast %mul3A_230 : i32 to index
        %get3A_237 = tpu.vector_load %arg5[%get3A_233, %get3A_234, %get3A_235, %get3A_236] {strides = array<i32>} : memref<2x4x4x1024xf32, #tpu.memory_space<vmem>>, vector<1x1x1x16xf32>,
        %get3A_238 = vector.shape_cast %get3A_237 : vector<1x1x1x16xf32> to vector<16xf32>
        %add3A_239 = arith.addf %get3A_238, %get3A_228 : vector<16xf32>
        %mul3A_240 = arith.constant 16 : i32
        %mul3A_241 = arith.muli %add3A_221, %mul3A_240 : i32
        %swap3A = arith.constant 2 : i32
        %swap3A_242 = arith.constant 0 : i32
        %swap3A_243 = arith.index_cast %rem3A_132 : i32 to index
        %swap3A_244 = arith.index_cast %swap3A : i32 to index
        %swap3A_245 = arith.index_cast %swap3A_242 : i32 to index
        %swap3A_246 = arith.index_cast %mul3A_241 : i32 to index
        %swap3A_247 = tpu.vector_load %arg7[%swap3A_243, %swap3A_244, %swap3A_245, %swap3A_246] {strides = array<i32>} : memref<2x4x4x1024xf32, #tpu.memory_space<vmem>>, vector<1x1x1x16xf32>,
        %swap3A_248 = vector.shape_cast %swap3A_247 : vector<1x1x1x16xf32> to vector<16xf32>
        %swap3A_249 = vector.shape_cast %add3A_239 : vector<16xf32> to vector<1x1x1x16xf32>
        tpu.vector_store %arg7[%swap3A_243, %swap3A_244, %swap3A_245, %swap3A_246], %swap3A_249 {strides = array<i32>} : memref<2x4x4x1024xf32, #tpu.memory_space<vmem>>, vector<1x1x1x16xf32>,
        %mul3A_250 = arith.constant 16 : i32
        %mul3A_251 = arith.muli %add3A_221, %mul3A_250 : i32
        %get3A_252 = arith.constant 2 : i32
        %get3A_253 = arith.constant 1 : i32
        %get3A_254 = arith.index_cast %rem3A_132 : i32 to index
        %get3A_255 = arith.index_cast %get3A_252 : i32 to index
        %get3A_256 = arith.index_cast %get3A_253 : i32 to index
        %get3A_257 = arith.index_cast %mul3A_251 : i32 to index
        %get3A_258 = tpu.vector_load %arg5[%get3A_254, %get3A_255, %get3A_256, %get3A_257] {strides = array<i32>} : memref<2x4x4x1024xf32, #tpu.memory_space<vmem>>, vector<1x1x1x16xf32>,
        %get3A_259 = vector.shape_cast %get3A_258 : vector<1x1x1x16xf32> to vector<16xf32>
        %add3A_260 = arith.addf %get3A_259, %get3A_228 : vector<16xf32>
        %mul3A_261 = arith.constant 16 : i32
        %mul3A_262 = arith.muli %add3A_221, %mul3A_261 : i32
        %swap3A_263 = arith.constant 2 : i32
        %swap3A_264 = arith.constant 1 : i32
        %swap3A_265 = arith.index_cast %rem3A_132 : i32 to index
        %swap3A_266 = arith.index_cast %swap3A_263 : i32 to index
        %swap3A_267 = arith.index_cast %swap3A_264 : i32 to index
        %swap3A_268 = arith.index_cast %mul3A_262 : i32 to index
        %swap3A_269 = tpu.vector_load %arg7[%swap3A_265, %swap3A_266, %swap3A_267, %swap3A_268] {strides = array<i32>} : memref<2x4x4x1024xf32, #tpu.memory_space<vmem>>, vector<1x1x1x16xf32>,
        %swap3A_270 = vector.shape_cast %swap3A_269 : vector<1x1x1x16xf32> to vector<16xf32>
        %swap3A_271 = vector.shape_cast %add3A_260 : vector<16xf32> to vector<1x1x1x16xf32>
        tpu.vector_store %arg7[%swap3A_265, %swap3A_266, %swap3A_267, %swap3A_268], %swap3A_271 {strides = array<i32>} : memref<2x4x4x1024xf32, #tpu.memory_space<vmem>>, vector<1x1x1x16xf32>,
        %mul3A_272 = arith.constant 16 : i32
        %mul3A_273 = arith.muli %add3A_221, %mul3A_272 : i32
        %get3A_274 = arith.constant 2 : i32
        %get3A_275 = arith.constant 2 : i32
        %get3A_276 = arith.index_cast %rem3A_132 : i32 to index
        %get3A_277 = arith.index_cast %get3A_274 : i32 to index
        %get3A_278 = arith.index_cast %get3A_275 : i32 to index
        %get3A_279 = arith.index_cast %mul3A_273 : i32 to index
        %get3A_280 = tpu.vector_load %arg5[%get3A_276, %get3A_277, %get3A_278, %get3A_279] {strides = array<i32>} : memref<2x4x4x1024xf32, #tpu.memory_space<vmem>>, vector<1x1x1x16xf32>,
        %get3A_281 = vector.shape_cast %get3A_280 : vector<1x1x1x16xf32> to vector<16xf32>
        %add3A_282 = arith.addf %get3A_281, %get3A_228 : vector<16xf32>
        %mul3A_283 = arith.constant 16 : i32
        %mul3A_284 = arith.muli %add3A_221, %mul3A_283 : i32
        %swap3A_285 = arith.constant 2 : i32
        %swap3A_286 = arith.constant 2 : i32
        %swap3A_287 = arith.index_cast %rem3A_132 : i32 to index
        %swap3A_288 = arith.index_cast %swap3A_285 : i32 to index
        %swap3A_289 = arith.index_cast %swap3A_286 : i32 to index
        %swap3A_290 = arith.index_cast %mul3A_284 : i32 to index
        %swap3A_291 = tpu.vector_load %arg7[%swap3A_287, %swap3A_288, %swap3A_289, %swap3A_290] {strides = array<i32>} : memref<2x4x4x1024xf32, #tpu.memory_space<vmem>>, vector<1x1x1x16xf32>,
        %swap3A_292 = vector.shape_cast %swap3A_291 : vector<1x1x1x16xf32> to vector<16xf32>
        %swap3A_293 = vector.shape_cast %add3A_282 : vector<16xf32> to vector<1x1x1x16xf32>
        tpu.vector_store %arg7[%swap3A_287, %swap3A_288, %swap3A_289, %swap3A_290], %swap3A_293 {strides = array<i32>} : memref<2x4x4x1024xf32, #tpu.memory_space<vmem>>, vector<1x1x1x16xf32>,
        %mul3A_294 = arith.constant 16 : i32
        %mul3A_295 = arith.muli %add3A_221, %mul3A_294 : i32
        %get3A_296 = arith.constant 2 : i32
        %get3A_297 = arith.constant 3 : i32
        %get3A_298 = arith.index_cast %rem3A_132 : i32 to index
        %get3A_299 = arith.index_cast %get3A_296 : i32 to index
        %get3A_300 = arith.index_cast %get3A_297 : i32 to index
        %get3A_301 = arith.index_cast %mul3A_295 : i32 to index
        %get3A_302 = tpu.vector_load %arg5[%get3A_298, %get3A_299, %get3A_300, %get3A_301] {strides = array<i32>} : memref<2x4x4x1024xf32, #tpu.memory_space<vmem>>, vector<1x1x1x16xf32>,
        %get3A_303 = vector.shape_cast %get3A_302 : vector<1x1x1x16xf32> to vector<16xf32>
        %add3A_304 = arith.addf %get3A_303, %get3A_228 : vector<16xf32>
        %mul3A_305 = arith.constant 16 : i32
        %mul3A_306 = arith.muli %add3A_221, %mul3A_305 : i32
        %swap3A_307 = arith.constant 2 : i32
        %swap3A_308 = arith.constant 3 : i32
        %swap3A_309 = arith.index_cast %rem3A_132 : i32 to index
        %swap3A_310 = arith.index_cast %swap3A_307 : i32 to index
        %swap3A_311 = arith.index_cast %swap3A_308 : i32 to index
        %swap3A_312 = arith.index_cast %mul3A_306 : i32 to index
        %swap3A_313 = tpu.vector_load %arg7[%swap3A_309, %swap3A_310, %swap3A_311, %swap3A_312] {strides = array<i32>} : memref<2x4x4x1024xf32, #tpu.memory_space<vmem>>, vector<1x1x1x16xf32>,
        %swap3A_314 = vector.shape_cast %swap3A_313 : vector<1x1x1x16xf32> to vector<16xf32>
        %swap3A_315 = vector.shape_cast %add3A_304 : vector<16xf32> to vector<1x1x1x16xf32>
        tpu.vector_store %arg7[%swap3A_309, %swap3A_310, %swap3A_311, %swap3A_312], %swap3A_315 {strides = array<i32>} : memref<2x4x4x1024xf32, #tpu.memory_space<vmem>>, vector<1x1x1x16xf32>,
        %scan3A_316 = arith.constant 1 : i32
        %scan3A_317 = arith.addi %scan3A_217, %scan3A_316 : i32
        %mul3A_318 = arith.constant 1 : i32
        %mul3A_319 = arith.muli %scan3A_317, %mul3A_318 : i32
        %add3A_320 = arith.constant 0 : i32
        %add3A_321 = arith.addi %add3A_320, %mul3A_319 : i32
        %mul3A_322 = arith.constant 16 : i32
        %mul3A_323 = arith.muli %add3A_321, %mul3A_322 : i32
        %get3A_324 = arith.constant 2 : i32
        %get3A_325 = arith.index_cast %rem3A_132 : i32 to index
        %get3A_326 = arith.index_cast %get3A_324 : i32 to index
        %get3A_327 = arith.index_cast %mul3A_323 : i32 to index
        %get3A_328 = tpu.vector_load %arg6[%get3A_325, %get3A_326, %get3A_327] {strides = array<i32>} : memref<2x4x1024xf32, #tpu.memory_space<vmem>>, vector<1x1x16xf32>,
        %get3A_329 = vector.shape_cast %get3A_328 : vector<1x1x16xf32> to vector<16xf32>
        %mul3A_330 = arith.constant 16 : i32
        %mul3A_331 = arith.muli %add3A_321, %mul3A_330 : i32
        %get3A_332 = arith.constant 2 : i32
        %get3A_333 = arith.constant 0 : i32
        %get3A_334 = arith.index_cast %rem3A_132 : i32 to index
        %get3A_335 = arith.index_cast %get3A_332 : i32 to index
        %get3A_336 = arith.index_cast %get3A_333 : i32 to index
        %get3A_337 = arith.index_cast %mul3A_331 : i32 to index
        %get3A_338 = tpu.vector_load %arg5[%get3A_334, %get3A_335, %get3A_336, %get3A_337] {strides = array<i32>} : memref<2x4x4x1024xf32, #tpu.memory_space<vmem>>, vector<1x1x1x16xf32>,
        %get3A_339 = vector.shape_cast %get3A_338 : vector<1x1x1x16xf32> to vector<16xf32>
        %add3A_340 = arith.addf %get3A_339, %get3A_329 : vector<16xf32>
        %mul3A_341 = arith.constant 16 : i32
        %mul3A_342 = arith.muli %add3A_321, %mul3A_341 : i32
        %swap3A_343 = arith.constant 2 : i32
        %swap3A_344 = arith.constant 0 : i32
        %swap3A_345 = arith.index_cast %rem3A_132 : i32 to index
        %swap3A_346 = arith.index_cast %swap3A_343 : i32 to index
        %swap3A_347 = arith.index_cast %swap3A_344 : i32 to index
        %swap3A_348 = arith.index_cast %mul3A_342 : i32 to index
        %swap3A_349 = tpu.vector_load %arg7[%swap3A_345, %swap3A_346, %swap3A_347, %swap3A_348] {strides = array<i32>} : memref<2x4x4x1024xf32, #tpu.memory_space<vmem>>, vector<1x1x1x16xf32>,
        %swap3A_350 = vector.shape_cast %swap3A_349 : vector<1x1x1x16xf32> to vector<16xf32>
        %swap3A_351 = vector.shape_cast %add3A_340 : vector<16xf32> to vector<1x1x1x16xf32>
        tpu.vector_store %arg7[%swap3A_345, %swap3A_346, %swap3A_347, %swap3A_348], %swap3A_351 {strides = array<i32>} : memref<2x4x4x1024xf32, #tpu.memory_space<vmem>>, vector<1x1x1x16xf32>,
        %mul3A_352 = arith.constant 16 : i32
        %mul3A_353 = arith.muli %add3A_321, %mul3A_352 : i32
        %get3A_354 = arith.constant 2 : i32
        %get3A_355 = arith.constant 1 : i32
        %get3A_356 = arith.index_cast %rem3A_132 : i32 to index
        %get3A_357 = arith.index_cast %get3A_354 : i32 to index
        %get3A_358 = arith.index_cast %get3A_355 : i32 to index
        %get3A_359 = arith.index_cast %mul3A_353 : i32 to index
        %get3A_360 = tpu.vector_load %arg5[%get3A_356, %get3A_357, %get3A_358, %get3A_359] {strides = array<i32>} : memref<2x4x4x1024xf32, #tpu.memory_space<vmem>>, vector<1x1x1x16xf32>,
        %get3A_361 = vector.shape_cast %get3A_360 : vector<1x1x1x16xf32> to vector<16xf32>
        %add3A_362 = arith.addf %get3A_361, %get3A_329 : vector<16xf32>
        %mul3A_363 = arith.constant 16 : i32
        %mul3A_364 = arith.muli %add3A_321, %mul3A_363 : i32
        %swap3A_365 = arith.constant 2 : i32
        %swap3A_366 = arith.constant 1 : i32
        %swap3A_367 = arith.index_cast %rem3A_132 : i32 to index
        %swap3A_368 = arith.index_cast %swap3A_365 : i32 to index
        %swap3A_369 = arith.index_cast %swap3A_366 : i32 to index
        %swap3A_370 = arith.index_cast %mul3A_364 : i32 to index
        %swap3A_371 = tpu.vector_load %arg7[%swap3A_367, %swap3A_368, %swap3A_369, %swap3A_370] {strides = array<i32>} : memref<2x4x4x1024xf32, #tpu.memory_space<vmem>>, vector<1x1x1x16xf32>,
        %swap3A_372 = vector.shape_cast %swap3A_371 : vector<1x1x1x16xf32> to vector<16xf32>
        %swap3A_373 = vector.shape_cast %add3A_362 : vector<16xf32> to vector<1x1x1x16xf32>
        tpu.vector_store %arg7[%swap3A_367, %swap3A_368, %swap3A_369, %swap3A_370], %swap3A_373 {strides = array<i32>} : memref<2x4x4x1024xf32, #tpu.memory_space<vmem>>, vector<1x1x1x16xf32>,
        %mul3A_374 = arith.constant 16 : i32
        %mul3A_375 = arith.muli %add3A_321, %mul3A_374 : i32
        %get3A_376 = arith.constant 2 : i32
        %get3A_377 = arith.constant 2 : i32
        %get3A_378 = arith.index_cast %rem3A_132 : i32 to index
        %get3A_379 = arith.index_cast %get3A_376 : i32 to index
        %get3A_380 = arith.index_cast %get3A_377 : i32 to index
        %get3A_381 = arith.index_cast %mul3A_375 : i32 to index
        %get3A_382 = tpu.vector_load %arg5[%get3A_378, %get3A_379, %get3A_380, %get3A_381] {strides = array<i32>} : memref<2x4x4x1024xf32, #tpu.memory_space<vmem>>, vector<1x1x1x16xf32>,
        %get3A_383 = vector.shape_cast %get3A_382 : vector<1x1x1x16xf32> to vector<16xf32>
        %add3A_384 = arith.addf %get3A_383, %get3A_329 : vector<16xf32>
        %mul3A_385 = arith.constant 16 : i32
        %mul3A_386 = arith.muli %add3A_321, %mul3A_385 : i32
        %swap3A_387 = arith.constant 2 : i32
        %swap3A_388 = arith.constant 2 : i32
        %swap3A_389 = arith.index_cast %rem3A_132 : i32 to index
        %swap3A_390 = arith.index_cast %swap3A_387 : i32 to index
        %swap3A_391 = arith.index_cast %swap3A_388 : i32 to index
        %swap3A_392 = arith.index_cast %mul3A_386 : i32 to index
        %swap3A_393 = tpu.vector_load %arg7[%swap3A_389, %swap3A_390, %swap3A_391, %swap3A_392] {strides = array<i32>} : memref<2x4x4x1024xf32, #tpu.memory_space<vmem>>, vector<1x1x1x16xf32>,
        %swap3A_394 = vector.shape_cast %swap3A_393 : vector<1x1x1x16xf32> to vector<16xf32>
        %swap3A_395 = vector.shape_cast %add3A_384 : vector<16xf32> to vector<1x1x1x16xf32>
        tpu.vector_store %arg7[%swap3A_389, %swap3A_390, %swap3A_391, %swap3A_392], %swap3A_395 {strides = array<i32>} : memref<2x4x4x1024xf32, #tpu.memory_space<vmem>>, vector<1x1x1x16xf32>,
        %mul3A_396 = arith.constant 16 : i32
        %mul3A_397 = arith.muli %add3A_321, %mul3A_396 : i32
        %get3A_398 = arith.constant 2 : i32
        %get3A_399 = arith.constant 3 : i32
        %get3A_400 = arith.index_cast %rem3A_132 : i32 to index
        %get3A_401 = arith.index_cast %get3A_398 : i32 to index
        %get3A_402 = arith.index_cast %get3A_399 : i32 to index
        %get3A_403 = arith.index_cast %mul3A_397 : i32 to index
        %get3A_404 = tpu.vector_load %arg5[%get3A_400, %get3A_401, %get3A_402, %get3A_403] {strides = array<i32>} : memref<2x4x4x1024xf32, #tpu.memory_space<vmem>>, vector<1x1x1x16xf32>,
        %get3A_405 = vector.shape_cast %get3A_404 : vector<1x1x1x16xf32> to vector<16xf32>
        %add3A_406 = arith.addf %get3A_405, %get3A_329 : vector<16xf32>
        %mul3A_407 = arith.constant 16 : i32
        %mul3A_408 = arith.muli %add3A_321, %mul3A_407 : i32
        %swap3A_409 = arith.constant 2 : i32
        %swap3A_410 = arith.constant 3 : i32
        %swap3A_411 = arith.index_cast %rem3A_132 : i32 to index
        %swap3A_412 = arith.index_cast %swap3A_409 : i32 to index
        %swap3A_413 = arith.index_cast %swap3A_410 : i32 to index
        %swap3A_414 = arith.index_cast %mul3A_408 : i32 to index
        %swap3A_415 = tpu.vector_load %arg7[%swap3A_411, %swap3A_412, %swap3A_413, %swap3A_414] {strides = array<i32>} : memref<2x4x4x1024xf32, #tpu.memory_space<vmem>>, vector<1x1x1x16xf32>,
        %swap3A_416 = vector.shape_cast %swap3A_415 : vector<1x1x1x16xf32> to vector<16xf32>
        %swap3A_417 = vector.shape_cast %add3A_406 : vector<16xf32> to vector<1x1x1x16xf32>
        tpu.vector_store %arg7[%swap3A_411, %swap3A_412, %swap3A_413, %swap3A_414], %swap3A_417 {strides = array<i32>} : memref<2x4x4x1024xf32, #tpu.memory_space<vmem>>, vector<1x1x1x16xf32>,
        %scan3A_418 = arith.constant 2 : i32
        %scan3A_419 = arith.addi %scan3A_217, %scan3A_418 : i32
        %mul3A_420 = arith.constant 1 : i32
        %mul3A_421 = arith.muli %scan3A_419, %mul3A_420 : i32
        %add3A_422 = arith.constant 0 : i32
        %add3A_423 = arith.addi %add3A_422, %mul3A_421 : i32
        %mul3A_424 = arith.constant 16 : i32
        %mul3A_425 = arith.muli %add3A_423, %mul3A_424 : i32
        %get3A_426 = arith.constant 2 : i32
        %get3A_427 = arith.index_cast %rem3A_132 : i32 to index
        %get3A_428 = arith.index_cast %get3A_426 : i32 to index
        %get3A_429 = arith.index_cast %mul3A_425 : i32 to index
        %get3A_430 = tpu.vector_load %arg6[%get3A_427, %get3A_428, %get3A_429] {strides = array<i32>} : memref<2x4x1024xf32, #tpu.memory_space<vmem>>, vector<1x1x16xf32>,
        %get3A_431 = vector.shape_cast %get3A_430 : vector<1x1x16xf32> to vector<16xf32>
        %mul3A_432 = arith.constant 16 : i32
        %mul3A_433 = arith.muli %add3A_423, %mul3A_432 : i32
        %get3A_434 = arith.constant 2 : i32
        %get3A_435 = arith.constant 0 : i32
        %get3A_436 = arith.index_cast %rem3A_132 : i32 to index
        %get3A_437 = arith.index_cast %get3A_434 : i32 to index
        %get3A_438 = arith.index_cast %get3A_435 : i32 to index
        %get3A_439 = arith.index_cast %mul3A_433 : i32 to index
        %get3A_440 = tpu.vector_load %arg5[%get3A_436, %get3A_437, %get3A_438, %get3A_439] {strides = array<i32>} : memref<2x4x4x1024xf32, #tpu.memory_space<vmem>>, vector<1x1x1x16xf32>,
        %get3A_441 = vector.shape_cast %get3A_440 : vector<1x1x1x16xf32> to vector<16xf32>
        %add3A_442 = arith.addf %get3A_441, %get3A_431 : vector<16xf32>
        %mul3A_443 = arith.constant 16 : i32
        %mul3A_444 = arith.muli %add3A_423, %mul3A_443 : i32
        %swap3A_445 = arith.constant 2 : i32
        %swap3A_446 = arith.constant 0 : i32
        %swap3A_447 = arith.index_cast %rem3A_132 : i32 to index
        %swap3A_448 = arith.index_cast %swap3A_445 : i32 to index
        %swap3A_449 = arith.index_cast %swap3A_446 : i32 to index
        %swap3A_450 = arith.index_cast %mul3A_444 : i32 to index
        %swap3A_451 = tpu.vector_load %arg7[%swap3A_447, %swap3A_448, %swap3A_449, %swap3A_450] {strides = array<i32>} : memref<2x4x4x1024xf32, #tpu.memory_space<vmem>>, vector<1x1x1x16xf32>,
        %swap3A_452 = vector.shape_cast %swap3A_451 : vector<1x1x1x16xf32> to vector<16xf32>
        %swap3A_453 = vector.shape_cast %add3A_442 : vector<16xf32> to vector<1x1x1x16xf32>
        tpu.vector_store %arg7[%swap3A_447, %swap3A_448, %swap3A_449, %swap3A_450], %swap3A_453 {strides = array<i32>} : memref<2x4x4x1024xf32, #tpu.memory_space<vmem>>, vector<1x1x1x16xf32>,
        %mul3A_454 = arith.constant 16 : i32
        %mul3A_455 = arith.muli %add3A_423, %mul3A_454 : i32
        %get3A_456 = arith.constant 2 : i32
        %get3A_457 = arith.constant 1 : i32
        %get3A_458 = arith.index_cast %rem3A_132 : i32 to index
        %get3A_459 = arith.index_cast %get3A_456 : i32 to index
        %get3A_460 = arith.index_cast %get3A_457 : i32 to index
        %get3A_461 = arith.index_cast %mul3A_455 : i32 to index
        %get3A_462 = tpu.vector_load %arg5[%get3A_458, %get3A_459, %get3A_460, %get3A_461] {strides = array<i32>} : memref<2x4x4x1024xf32, #tpu.memory_space<vmem>>, vector<1x1x1x16xf32>,
        %get3A_463 = vector.shape_cast %get3A_462 : vector<1x1x1x16xf32> to vector<16xf32>
        %add3A_464 = arith.addf %get3A_463, %get3A_431 : vector<16xf32>
        %mul3A_465 = arith.constant 16 : i32
        %mul3A_466 = arith.muli %add3A_423, %mul3A_465 : i32
        %swap3A_467 = arith.constant 2 : i32
        %swap3A_468 = arith.constant 1 : i32
        %swap3A_469 = arith.index_cast %rem3A_132 : i32 to index
        %swap3A_470 = arith.index_cast %swap3A_467 : i32 to index
        %swap3A_471 = arith.index_cast %swap3A_468 : i32 to index
        %swap3A_472 = arith.index_cast %mul3A_466 : i32 to index
        %swap3A_473 = tpu.vector_load %arg7[%swap3A_469, %swap3A_470, %swap3A_471, %swap3A_472] {strides = array<i32>} : memref<2x4x4x1024xf32, #tpu.memory_space<vmem>>, vector<1x1x1x16xf32>,
        %swap3A_474 = vector.shape_cast %swap3A_473 : vector<1x1x1x16xf32> to vector<16xf32>
        %swap3A_475 = vector.shape_cast %add3A_464 : vector<16xf32> to vector<1x1x1x16xf32>
        tpu.vector_store %arg7[%swap3A_469, %swap3A_470, %swap3A_471, %swap3A_472], %swap3A_475 {strides = array<i32>} : memref<2x4x4x1024xf32, #tpu.memory_space<vmem>>, vector<1x1x1x16xf32>,
        %mul3A_476 = arith.constant 16 : i32
        %mul3A_477 = arith.muli %add3A_423, %mul3A_476 : i32
        %get3A_478 = arith.constant 2 : i32
        %get3A_479 = arith.constant 2 : i32
        %get3A_480 = arith.index_cast %rem3A_132 : i32 to index
        %get3A_481 = arith.index_cast %get3A_478 : i32 to index
        %get3A_482 = arith.index_cast %get3A_479 : i32 to index
        %get3A_483 = arith.index_cast %mul3A_477 : i32 to index
        %get3A_484 = tpu.vector_load %arg5[%get3A_480, %get3A_481, %get3A_482, %get3A_483] {strides = array<i32>} : memref<2x4x4x1024xf32, #tpu.memory_space<vmem>>, vector<1x1x1x16xf32>,
        %get3A_485 = vector.shape_cast %get3A_484 : vector<1x1x1x16xf32> to vector<16xf32>
        %add3A_486 = arith.addf %get3A_485, %get3A_431 : vector<16xf32>
        %mul3A_487 = arith.constant 16 : i32
        %mul3A_488 = arith.muli %add3A_423, %mul3A_487 : i32
        %swap3A_489 = arith.constant 2 : i32
        %swap3A_490 = arith.constant 2 : i32
        %swap3A_491 = arith.index_cast %rem3A_132 : i32 to index
        %swap3A_492 = arith.index_cast %swap3A_489 : i32 to index
        %swap3A_493 = arith.index_cast %swap3A_490 : i32 to index
        %swap3A_494 = arith.index_cast %mul3A_488 : i32 to index
        %swap3A_495 = tpu.vector_load %arg7[%swap3A_491, %swap3A_492, %swap3A_493, %swap3A_494] {strides = array<i32>} : memref<2x4x4x1024xf32, #tpu.memory_space<vmem>>, vector<1x1x1x16xf32>,
        %swap3A_496 = vector.shape_cast %swap3A_495 : vector<1x1x1x16xf32> to vector<16xf32>
        %swap3A_497 = vector.shape_cast %add3A_486 : vector<16xf32> to vector<1x1x1x16xf32>
        tpu.vector_store %arg7[%swap3A_491, %swap3A_492, %swap3A_493, %swap3A_494], %swap3A_497 {strides = array<i32>} : memref<2x4x4x1024xf32, #tpu.memory_space<vmem>>, vector<1x1x1x16xf32>,
        %mul3A_498 = arith.constant 16 : i32
        %mul3A_499 = arith.muli %add3A_423, %mul3A_498 : i32
        %get3A_500 = arith.constant 2 : i32
        %get3A_501 = arith.constant 3 : i32
        %get3A_502 = arith.index_cast %rem3A_132 : i32 to index
        %get3A_503 = arith.index_cast %get3A_500 : i32 to index
        %get3A_504 = arith.index_cast %get3A_501 : i32 to index
        %get3A_505 = arith.index_cast %mul3A_499 : i32 to index
        %get3A_506 = tpu.vector_load %arg5[%get3A_502, %get3A_503, %get3A_504, %get3A_505] {strides = array<i32>} : memref<2x4x4x1024xf32, #tpu.memory_space<vmem>>, vector<1x1x1x16xf32>,
        %get3A_507 = vector.shape_cast %get3A_506 : vector<1x1x1x16xf32> to vector<16xf32>
        %add3A_508 = arith.addf %get3A_507, %get3A_431 : vector<16xf32>
        %mul3A_509 = arith.constant 16 : i32
        %mul3A_510 = arith.muli %add3A_423, %mul3A_509 : i32
        %swap3A_511 = arith.constant 2 : i32
        %swap3A_512 = arith.constant 3 : i32
        %swap3A_513 = arith.index_cast %rem3A_132 : i32 to index
        %swap3A_514 = arith.index_cast %swap3A_511 : i32 to index
        %swap3A_515 = arith.index_cast %swap3A_512 : i32 to index
        %swap3A_516 = arith.index_cast %mul3A_510 : i32 to index
        %swap3A_517 = tpu.vector_load %arg7[%swap3A_513, %swap3A_514, %swap3A_515, %swap3A_516] {strides = array<i32>} : memref<2x4x4x1024xf32, #tpu.memory_space<vmem>>, vector<1x1x1x16xf32>,
        %swap3A_518 = vector.shape_cast %swap3A_517 : vector<1x1x1x16xf32> to vector<16xf32>
        %swap3A_519 = vector.shape_cast %add3A_508 : vector<16xf32> to vector<1x1x1x16xf32>
        tpu.vector_store %arg7[%swap3A_513, %swap3A_514, %swap3A_515, %swap3A_516], %swap3A_519 {strides = array<i32>} : memref<2x4x4x1024xf32, #tpu.memory_space<vmem>>, vector<1x1x1x16xf32>,
        %scan3A_520 = arith.constant 3 : i32
        %scan3A_521 = arith.addi %scan3A_217, %scan3A_520 : i32
        %mul3A_522 = arith.constant 1 : i32
        %mul3A_523 = arith.muli %scan3A_521, %mul3A_522 : i32
        %add3A_524 = arith.constant 0 : i32
        %add3A_525 = arith.addi %add3A_524, %mul3A_523 : i32
        %mul3A_526 = arith.constant 16 : i32
        %mul3A_527 = arith.muli %add3A_525, %mul3A_526 : i32
        %get3A_528 = arith.constant 2 : i32
        %get3A_529 = arith.index_cast %rem3A_132 : i32 to index
        %get3A_530 = arith.index_cast %get3A_528 : i32 to index
        %get3A_531 = arith.index_cast %mul3A_527 : i32 to index
        %get3A_532 = tpu.vector_load %arg6[%get3A_529, %get3A_530, %get3A_531] {strides = array<i32>} : memref<2x4x1024xf32, #tpu.memory_space<vmem>>, vector<1x1x16xf32>,
        %get3A_533 = vector.shape_cast %get3A_532 : vector<1x1x16xf32> to vector<16xf32>
        %mul3A_534 = arith.constant 16 : i32
        %mul3A_535 = arith.muli %add3A_525, %mul3A_534 : i32
        %get3A_536 = arith.constant 2 : i32
        %get3A_537 = arith.constant 0 : i32
        %get3A_538 = arith.index_cast %rem3A_132 : i32 to index
        %get3A_539 = arith.index_cast %get3A_536 : i32 to index
        %get3A_540 = arith.index_cast %get3A_537 : i32 to index
        %get3A_541 = arith.index_cast %mul3A_535 : i32 to index
        %get3A_542 = tpu.vector_load %arg5[%get3A_538, %get3A_539, %get3A_540, %get3A_541] {strides = array<i32>} : memref<2x4x4x1024xf32, #tpu.memory_space<vmem>>, vector<1x1x1x16xf32>,
        %get3A_543 = vector.shape_cast %get3A_542 : vector<1x1x1x16xf32> to vector<16xf32>
        %add3A_544 = arith.addf %get3A_543, %get3A_533 : vector<16xf32>
        %mul3A_545 = arith.constant 16 : i32
        %mul3A_546 = arith.muli %add3A_525, %mul3A_545 : i32
        %swap3A_547 = arith.constant 2 : i32
        %swap3A_548 = arith.constant 0 : i32
        %swap3A_549 = arith.index_cast %rem3A_132 : i32 to index
        %swap3A_550 = arith.index_cast %swap3A_547 : i32 to index
        %swap3A_551 = arith.index_cast %swap3A_548 : i32 to index
        %swap3A_552 = arith.index_cast %mul3A_546 : i32 to index
        %swap3A_553 = tpu.vector_load %arg7[%swap3A_549, %swap3A_550, %swap3A_551, %swap3A_552] {strides = array<i32>} : memref<2x4x4x1024xf32, #tpu.memory_space<vmem>>, vector<1x1x1x16xf32>,
        %swap3A_554 = vector.shape_cast %swap3A_553 : vector<1x1x1x16xf32> to vector<16xf32>
        %swap3A_555 = vector.shape_cast %add3A_544 : vector<16xf32> to vector<1x1x1x16xf32>
        tpu.vector_store %arg7[%swap3A_549, %swap3A_550, %swap3A_551, %swap3A_552], %swap3A_555 {strides = array<i32>} : memref<2x4x4x1024xf32, #tpu.memory_space<vmem>>, vector<1x1x1x16xf32>,
        %mul3A_556 = arith.constant 16 : i32
        %mul3A_557 = arith.muli %add3A_525, %mul3A_556 : i32
        %get3A_558 = arith.constant 2 : i32
        %get3A_559 = arith.constant 1 : i32
        %get3A_560 = arith.index_cast %rem3A_132 : i32 to index
        %get3A_561 = arith.index_cast %get3A_558 : i32 to index
        %get3A_562 = arith.index_cast %get3A_559 : i32 to index
        %get3A_563 = arith.index_cast %mul3A_557 : i32 to index
        %get3A_564 = tpu.vector_load %arg5[%get3A_560, %get3A_561, %get3A_562, %get3A_563] {strides = array<i32>} : memref<2x4x4x1024xf32, #tpu.memory_space<vmem>>, vector<1x1x1x16xf32>,
        %get3A_565 = vector.shape_cast %get3A_564 : vector<1x1x1x16xf32> to vector<16xf32>
        %add3A_566 = arith.addf %get3A_565, %get3A_533 : vector<16xf32>
        %mul3A_567 = arith.constant 16 : i32
        %mul3A_568 = arith.muli %add3A_525, %mul3A_567 : i32
        %swap3A_569 = arith.constant 2 : i32
        %swap3A_570 = arith.constant 1 : i32
        %swap3A_571 = arith.index_cast %rem3A_132 : i32 to index
        %swap3A_572 = arith.index_cast %swap3A_569 : i32 to index
        %swap3A_573 = arith.index_cast %swap3A_570 : i32 to index
        %swap3A_574 = arith.index_cast %mul3A_568 : i32 to index
        %swap3A_575 = tpu.vector_load %arg7[%swap3A_571, %swap3A_572, %swap3A_573, %swap3A_574] {strides = array<i32>} : memref<2x4x4x1024xf32, #tpu.memory_space<vmem>>, vector<1x1x1x16xf32>,
        %swap3A_576 = vector.shape_cast %swap3A_575 : vector<1x1x1x16xf32> to vector<16xf32>
        %swap3A_577 = vector.shape_cast %add3A_566 : vector<16xf32> to vector<1x1x1x16xf32>
        tpu.vector_store %arg7[%swap3A_571, %swap3A_572, %swap3A_573, %swap3A_574], %swap3A_577 {strides = array<i32>} : memref<2x4x4x1024xf32, #tpu.memory_space<vmem>>, vector<1x1x1x16xf32>,
        %mul3A_578 = arith.constant 16 : i32
        %mul3A_579 = arith.muli %add3A_525, %mul3A_578 : i32
        %get3A_580 = arith.constant 2 : i32
        %get3A_581 = arith.constant 2 : i32
        %get3A_582 = arith.index_cast %rem3A_132 : i32 to index
        %get3A_583 = arith.index_cast %get3A_580 : i32 to index
        %get3A_584 = arith.index_cast %get3A_581 : i32 to index
        %get3A_585 = arith.index_cast %mul3A_579 : i32 to index
        %get3A_586 = tpu.vector_load %arg5[%get3A_582, %get3A_583, %get3A_584, %get3A_585] {strides = array<i32>} : memref<2x4x4x1024xf32, #tpu.memory_space<vmem>>, vector<1x1x1x16xf32>,
        %get3A_587 = vector.shape_cast %get3A_586 : vector<1x1x1x16xf32> to vector<16xf32>
        %add3A_588 = arith.addf %get3A_587, %get3A_533 : vector<16xf32>
        %mul3A_589 = arith.constant 16 : i32
        %mul3A_590 = arith.muli %add3A_525, %mul3A_589 : i32
        %swap3A_591 = arith.constant 2 : i32
        %swap3A_592 = arith.constant 2 : i32
        %swap3A_593 = arith.index_cast %rem3A_132 : i32 to index
        %swap3A_594 = arith.index_cast %swap3A_591 : i32 to index
        %swap3A_595 = arith.index_cast %swap3A_592 : i32 to index
        %swap3A_596 = arith.index_cast %mul3A_590 : i32 to index
        %swap3A_597 = tpu.vector_load %arg7[%swap3A_593, %swap3A_594, %swap3A_595, %swap3A_596] {strides = array<i32>} : memref<2x4x4x1024xf32, #tpu.memory_space<vmem>>, vector<1x1x1x16xf32>,
        %swap3A_598 = vector.shape_cast %swap3A_597 : vector<1x1x1x16xf32> to vector<16xf32>
        %swap3A_599 = vector.shape_cast %add3A_588 : vector<16xf32> to vector<1x1x1x16xf32>
        tpu.vector_store %arg7[%swap3A_593, %swap3A_594, %swap3A_595, %swap3A_596], %swap3A_599 {strides = array<i32>} : memref<2x4x4x1024xf32, #tpu.memory_space<vmem>>, vector<1x1x1x16xf32>,
        %mul3A_600 = arith.constant 16 : i32
        %mul3A_601 = arith.muli %add3A_525, %mul3A_600 : i32
        %get3A_602 = arith.constant 2 : i32
        %get3A_603 = arith.constant 3 : i32
        %get3A_604 = arith.index_cast %rem3A_132 : i32 to index
        %get3A_605 = arith.index_cast %get3A_602 : i32 to index
        %get3A_606 = arith.index_cast %get3A_603 : i32 to index
        %get3A_607 = arith.index_cast %mul3A_601 : i32 to index
        %get3A_608 = tpu.vector_load %arg5[%get3A_604, %get3A_605, %get3A_606, %get3A_607] {strides = array<i32>} : memref<2x4x4x1024xf32, #tpu.memory_space<vmem>>, vector<1x1x1x16xf32>,
        %get3A_609 = vector.shape_cast %get3A_608 : vector<1x1x1x16xf32> to vector<16xf32>
        %add3A_610 = arith.addf %get3A_609, %get3A_533 : vector<16xf32>
        %mul3A_611 = arith.constant 16 : i32
        %mul3A_612 = arith.muli %add3A_525, %mul3A_611 : i32
        %swap3A_613 = arith.constant 2 : i32
        %swap3A_614 = arith.constant 3 : i32
        %swap3A_615 = arith.index_cast %rem3A_132 : i32 to index
        %swap3A_616 = arith.index_cast %swap3A_613 : i32 to index
        %swap3A_617 = arith.index_cast %swap3A_614 : i32 to index
        %swap3A_618 = arith.index_cast %mul3A_612 : i32 to index
        %swap3A_619 = tpu.vector_load %arg7[%swap3A_615, %swap3A_616, %swap3A_617, %swap3A_618] {strides = array<i32>} : memref<2x4x4x1024xf32, #tpu.memory_space<vmem>>, vector<1x1x1x16xf32>,
        %swap3A_620 = vector.shape_cast %swap3A_619 : vector<1x1x1x16xf32> to vector<16xf32>
        %swap3A_621 = vector.shape_cast %add3A_610 : vector<16xf32> to vector<1x1x1x16xf32>
        tpu.vector_store %arg7[%swap3A_615, %swap3A_616, %swap3A_617, %swap3A_618], %swap3A_621 {strides = array<i32>} : memref<2x4x4x1024xf32, #tpu.memory_space<vmem>>, vector<1x1x1x16xf32>,
      }
      %scan3A_184 = arith.constant 64 : i32
      %scan3A_185 = arith.constant 0 : i32
      %scan3A_186 = arith.constant 64 : i32
      %scan3A_187 = arith.addi %scan3A_185, %scan3A_186 : i32
      %scan3A_188 = arith.constant 4 : i32
      scf.for %scan3A_217 = %scan3A_185 to %scan3A_187 step %scan3A_188  : i32 {
        %mul3A_218 = arith.constant 1 : i32
        %mul3A_219 = arith.muli %scan3A_217, %mul3A_218 : i32
        %add3A_220 = arith.constant 0 : i32
        %add3A_221 = arith.addi %add3A_220, %mul3A_219 : i32
        %mul3A_222 = arith.constant 16 : i32
        %mul3A_223 = arith.muli %add3A_221, %mul3A_222 : i32
        %get3A = arith.constant 3 : i32
        %get3A_224 = arith.index_cast %rem3A_132 : i32 to index
        %get3A_225 = arith.index_cast %get3A : i32 to index
        %get3A_226 = arith.index_cast %mul3A_223 : i32 to index
        %get3A_227 = tpu.vector_load %arg6[%get3A_224, %get3A_225, %get3A_226] {strides = array<i32>} : memref<2x4x1024xf32, #tpu.memory_space<vmem>>, vector<1x1x16xf32>,
        %get3A_228 = vector.shape_cast %get3A_227 : vector<1x1x16xf32> to vector<16xf32>
        %mul3A_229 = arith.constant 16 : i32
        %mul3A_230 = arith.muli %add3A_221, %mul3A_229 : i32
        %get3A_231 = arith.constant 3 : i32
        %get3A_232 = arith.constant 0 : i32
        %get3A_233 = arith.index_cast %rem3A_132 : i32 to index
        %get3A_234 = arith.index_cast %get3A_231 : i32 to index
        %get3A_235 = arith.index_cast %get3A_232 : i32 to index
        %get3A_236 = arith.index_cast %mul3A_230 : i32 to index
        %get3A_237 = tpu.vector_load %arg5[%get3A_233, %get3A_234, %get3A_235, %get3A_236] {strides = array<i32>} : memref<2x4x4x1024xf32, #tpu.memory_space<vmem>>, vector<1x1x1x16xf32>,
        %get3A_238 = vector.shape_cast %get3A_237 : vector<1x1x1x16xf32> to vector<16xf32>
        %add3A_239 = arith.addf %get3A_238, %get3A_228 : vector<16xf32>
        %mul3A_240 = arith.constant 16 : i32
        %mul3A_241 = arith.muli %add3A_221, %mul3A_240 : i32
        %swap3A = arith.constant 3 : i32
        %swap3A_242 = arith.constant 0 : i32
        %swap3A_243 = arith.index_cast %rem3A_132 : i32 to index
        %swap3A_244 = arith.index_cast %swap3A : i32 to index
        %swap3A_245 = arith.index_cast %swap3A_242 : i32 to index
        %swap3A_246 = arith.index_cast %mul3A_241 : i32 to index
        %swap3A_247 = tpu.vector_load %arg7[%swap3A_243, %swap3A_244, %swap3A_245, %swap3A_246] {strides = array<i32>} : memref<2x4x4x1024xf32, #tpu.memory_space<vmem>>, vector<1x1x1x16xf32>,
        %swap3A_248 = vector.shape_cast %swap3A_247 : vector<1x1x1x16xf32> to vector<16xf32>
        %swap3A_249 = vector.shape_cast %add3A_239 : vector<16xf32> to vector<1x1x1x16xf32>
        tpu.vector_store %arg7[%swap3A_243, %swap3A_244, %swap3A_245, %swap3A_246], %swap3A_249 {strides = array<i32>} : memref<2x4x4x1024xf32, #tpu.memory_space<vmem>>, vector<1x1x1x16xf32>,
        %mul3A_250 = arith.constant 16 : i32
        %mul3A_251 = arith.muli %add3A_221, %mul3A_250 : i32
        %get3A_252 = arith.constant 3 : i32
        %get3A_253 = arith.constant 1 : i32
        %get3A_254 = arith.index_cast %rem3A_132 : i32 to index
        %get3A_255 = arith.index_cast %get3A_252 : i32 to index
        %get3A_256 = arith.index_cast %get3A_253 : i32 to index
        %get3A_257 = arith.index_cast %mul3A_251 : i32 to index
        %get3A_258 = tpu.vector_load %arg5[%get3A_254, %get3A_255, %get3A_256, %get3A_257] {strides = array<i32>} : memref<2x4x4x1024xf32, #tpu.memory_space<vmem>>, vector<1x1x1x16xf32>,
        %get3A_259 = vector.shape_cast %get3A_258 : vector<1x1x1x16xf32> to vector<16xf32>
        %add3A_260 = arith.addf %get3A_259, %get3A_228 : vector<16xf32>
        %mul3A_261 = arith.constant 16 : i32
        %mul3A_262 = arith.muli %add3A_221, %mul3A_261 : i32
        %swap3A_263 = arith.constant 3 : i32
        %swap3A_264 = arith.constant 1 : i32
        %swap3A_265 = arith.index_cast %rem3A_132 : i32 to index
        %swap3A_266 = arith.index_cast %swap3A_263 : i32 to index
        %swap3A_267 = arith.index_cast %swap3A_264 : i32 to index
        %swap3A_268 = arith.index_cast %mul3A_262 : i32 to index
        %swap3A_269 = tpu.vector_load %arg7[%swap3A_265, %swap3A_266, %swap3A_267, %swap3A_268] {strides = array<i32>} : memref<2x4x4x1024xf32, #tpu.memory_space<vmem>>, vector<1x1x1x16xf32>,
        %swap3A_270 = vector.shape_cast %swap3A_269 : vector<1x1x1x16xf32> to vector<16xf32>
        %swap3A_271 = vector.shape_cast %add3A_260 : vector<16xf32> to vector<1x1x1x16xf32>
        tpu.vector_store %arg7[%swap3A_265, %swap3A_266, %swap3A_267, %swap3A_268], %swap3A_271 {strides = array<i32>} : memref<2x4x4x1024xf32, #tpu.memory_space<vmem>>, vector<1x1x1x16xf32>,
        %mul3A_272 = arith.constant 16 : i32
        %mul3A_273 = arith.muli %add3A_221, %mul3A_272 : i32
        %get3A_274 = arith.constant 3 : i32
        %get3A_275 = arith.constant 2 : i32
        %get3A_276 = arith.index_cast %rem3A_132 : i32 to index
        %get3A_277 = arith.index_cast %get3A_274 : i32 to index
        %get3A_278 = arith.index_cast %get3A_275 : i32 to index
        %get3A_279 = arith.index_cast %mul3A_273 : i32 to index
        %get3A_280 = tpu.vector_load %arg5[%get3A_276, %get3A_277, %get3A_278, %get3A_279] {strides = array<i32>} : memref<2x4x4x1024xf32, #tpu.memory_space<vmem>>, vector<1x1x1x16xf32>,
        %get3A_281 = vector.shape_cast %get3A_280 : vector<1x1x1x16xf32> to vector<16xf32>
        %add3A_282 = arith.addf %get3A_281, %get3A_228 : vector<16xf32>
        %mul3A_283 = arith.constant 16 : i32
        %mul3A_284 = arith.muli %add3A_221, %mul3A_283 : i32
        %swap3A_285 = arith.constant 3 : i32
        %swap3A_286 = arith.constant 2 : i32
        %swap3A_287 = arith.index_cast %rem3A_132 : i32 to index
        %swap3A_288 = arith.index_cast %swap3A_285 : i32 to index
        %swap3A_289 = arith.index_cast %swap3A_286 : i32 to index
        %swap3A_290 = arith.index_cast %mul3A_284 : i32 to index
        %swap3A_291 = tpu.vector_load %arg7[%swap3A_287, %swap3A_288, %swap3A_289, %swap3A_290] {strides = array<i32>} : memref<2x4x4x1024xf32, #tpu.memory_space<vmem>>, vector<1x1x1x16xf32>,
        %swap3A_292 = vector.shape_cast %swap3A_291 : vector<1x1x1x16xf32> to vector<16xf32>
        %swap3A_293 = vector.shape_cast %add3A_282 : vector<16xf32> to vector<1x1x1x16xf32>
        tpu.vector_store %arg7[%swap3A_287, %swap3A_288, %swap3A_289, %swap3A_290], %swap3A_293 {strides = array<i32>} : memref<2x4x4x1024xf32, #tpu.memory_space<vmem>>, vector<1x1x1x16xf32>,
        %mul3A_294 = arith.constant 16 : i32
        %mul3A_295 = arith.muli %add3A_221, %mul3A_294 : i32
        %get3A_296 = arith.constant 3 : i32
        %get3A_297 = arith.constant 3 : i32
        %get3A_298 = arith.index_cast %rem3A_132 : i32 to index
        %get3A_299 = arith.index_cast %get3A_296 : i32 to index
        %get3A_300 = arith.index_cast %get3A_297 : i32 to index
        %get3A_301 = arith.index_cast %mul3A_295 : i32 to index
        %get3A_302 = tpu.vector_load %arg5[%get3A_298, %get3A_299, %get3A_300, %get3A_301] {strides = array<i32>} : memref<2x4x4x1024xf32, #tpu.memory_space<vmem>>, vector<1x1x1x16xf32>,
        %get3A_303 = vector.shape_cast %get3A_302 : vector<1x1x1x16xf32> to vector<16xf32>
        %add3A_304 = arith.addf %get3A_303, %get3A_228 : vector<16xf32>
        %mul3A_305 = arith.constant 16 : i32
        %mul3A_306 = arith.muli %add3A_221, %mul3A_305 : i32
        %swap3A_307 = arith.constant 3 : i32
        %swap3A_308 = arith.constant 3 : i32
        %swap3A_309 = arith.index_cast %rem3A_132 : i32 to index
        %swap3A_310 = arith.index_cast %swap3A_307 : i32 to index
        %swap3A_311 = arith.index_cast %swap3A_308 : i32 to index
        %swap3A_312 = arith.index_cast %mul3A_306 : i32 to index
        %swap3A_313 = tpu.vector_load %arg7[%swap3A_309, %swap3A_310, %swap3A_311, %swap3A_312] {strides = array<i32>} : memref<2x4x4x1024xf32, #tpu.memory_space<vmem>>, vector<1x1x1x16xf32>,
        %swap3A_314 = vector.shape_cast %swap3A_313 : vector<1x1x1x16xf32> to vector<16xf32>
        %swap3A_315 = vector.shape_cast %add3A_304 : vector<16xf32> to vector<1x1x1x16xf32>
        tpu.vector_store %arg7[%swap3A_309, %swap3A_310, %swap3A_311, %swap3A_312], %swap3A_315 {strides = array<i32>} : memref<2x4x4x1024xf32, #tpu.memory_space<vmem>>, vector<1x1x1x16xf32>,
        %scan3A_316 = arith.constant 1 : i32
        %scan3A_317 = arith.addi %scan3A_217, %scan3A_316 : i32
        %mul3A_318 = arith.constant 1 : i32
        %mul3A_319 = arith.muli %scan3A_317, %mul3A_318 : i32
        %add3A_320 = arith.constant 0 : i32
        %add3A_321 = arith.addi %add3A_320, %mul3A_319 : i32
        %mul3A_322 = arith.constant 16 : i32
        %mul3A_323 = arith.muli %add3A_321, %mul3A_322 : i32
        %get3A_324 = arith.constant 3 : i32
        %get3A_325 = arith.index_cast %rem3A_132 : i32 to index
        %get3A_326 = arith.index_cast %get3A_324 : i32 to index
        %get3A_327 = arith.index_cast %mul3A_323 : i32 to index
        %get3A_328 = tpu.vector_load %arg6[%get3A_325, %get3A_326, %get3A_327] {strides = array<i32>} : memref<2x4x1024xf32, #tpu.memory_space<vmem>>, vector<1x1x16xf32>,
        %get3A_329 = vector.shape_cast %get3A_328 : vector<1x1x16xf32> to vector<16xf32>
        %mul3A_330 = arith.constant 16 : i32
        %mul3A_331 = arith.muli %add3A_321, %mul3A_330 : i32
        %get3A_332 = arith.constant 3 : i32
        %get3A_333 = arith.constant 0 : i32
        %get3A_334 = arith.index_cast %rem3A_132 : i32 to index
        %get3A_335 = arith.index_cast %get3A_332 : i32 to index
        %get3A_336 = arith.index_cast %get3A_333 : i32 to index
        %get3A_337 = arith.index_cast %mul3A_331 : i32 to index
        %get3A_338 = tpu.vector_load %arg5[%get3A_334, %get3A_335, %get3A_336, %get3A_337] {strides = array<i32>} : memref<2x4x4x1024xf32, #tpu.memory_space<vmem>>, vector<1x1x1x16xf32>,
        %get3A_339 = vector.shape_cast %get3A_338 : vector<1x1x1x16xf32> to vector<16xf32>
        %add3A_340 = arith.addf %get3A_339, %get3A_329 : vector<16xf32>
        %mul3A_341 = arith.constant 16 : i32
        %mul3A_342 = arith.muli %add3A_321, %mul3A_341 : i32
        %swap3A_343 = arith.constant 3 : i32
        %swap3A_344 = arith.constant 0 : i32
        %swap3A_345 = arith.index_cast %rem3A_132 : i32 to index
        %swap3A_346 = arith.index_cast %swap3A_343 : i32 to index
        %swap3A_347 = arith.index_cast %swap3A_344 : i32 to index
        %swap3A_348 = arith.index_cast %mul3A_342 : i32 to index
        %swap3A_349 = tpu.vector_load %arg7[%swap3A_345, %swap3A_346, %swap3A_347, %swap3A_348] {strides = array<i32>} : memref<2x4x4x1024xf32, #tpu.memory_space<vmem>>, vector<1x1x1x16xf32>,
        %swap3A_350 = vector.shape_cast %swap3A_349 : vector<1x1x1x16xf32> to vector<16xf32>
        %swap3A_351 = vector.shape_cast %add3A_340 : vector<16xf32> to vector<1x1x1x16xf32>
        tpu.vector_store %arg7[%swap3A_345, %swap3A_346, %swap3A_347, %swap3A_348], %swap3A_351 {strides = array<i32>} : memref<2x4x4x1024xf32, #tpu.memory_space<vmem>>, vector<1x1x1x16xf32>,
        %mul3A_352 = arith.constant 16 : i32
        %mul3A_353 = arith.muli %add3A_321, %mul3A_352 : i32
        %get3A_354 = arith.constant 3 : i32
        %get3A_355 = arith.constant 1 : i32
        %get3A_356 = arith.index_cast %rem3A_132 : i32 to index
        %get3A_357 = arith.index_cast %get3A_354 : i32 to index
        %get3A_358 = arith.index_cast %get3A_355 : i32 to index
        %get3A_359 = arith.index_cast %mul3A_353 : i32 to index
        %get3A_360 = tpu.vector_load %arg5[%get3A_356, %get3A_357, %get3A_358, %get3A_359] {strides = array<i32>} : memref<2x4x4x1024xf32, #tpu.memory_space<vmem>>, vector<1x1x1x16xf32>,
        %get3A_361 = vector.shape_cast %get3A_360 : vector<1x1x1x16xf32> to vector<16xf32>
        %add3A_362 = arith.addf %get3A_361, %get3A_329 : vector<16xf32>
        %mul3A_363 = arith.constant 16 : i32
        %mul3A_364 = arith.muli %add3A_321, %mul3A_363 : i32
        %swap3A_365 = arith.constant 3 : i32
        %swap3A_366 = arith.constant 1 : i32
        %swap3A_367 = arith.index_cast %rem3A_132 : i32 to index
        %swap3A_368 = arith.index_cast %swap3A_365 : i32 to index
        %swap3A_369 = arith.index_cast %swap3A_366 : i32 to index
        %swap3A_370 = arith.index_cast %mul3A_364 : i32 to index
        %swap3A_371 = tpu.vector_load %arg7[%swap3A_367, %swap3A_368, %swap3A_369, %swap3A_370] {strides = array<i32>} : memref<2x4x4x1024xf32, #tpu.memory_space<vmem>>, vector<1x1x1x16xf32>,
        %swap3A_372 = vector.shape_cast %swap3A_371 : vector<1x1x1x16xf32> to vector<16xf32>
        %swap3A_373 = vector.shape_cast %add3A_362 : vector<16xf32> to vector<1x1x1x16xf32>
        tpu.vector_store %arg7[%swap3A_367, %swap3A_368, %swap3A_369, %swap3A_370], %swap3A_373 {strides = array<i32>} : memref<2x4x4x1024xf32, #tpu.memory_space<vmem>>, vector<1x1x1x16xf32>,
        %mul3A_374 = arith.constant 16 : i32
        %mul3A_375 = arith.muli %add3A_321, %mul3A_374 : i32
        %get3A_376 = arith.constant 3 : i32
        %get3A_377 = arith.constant 2 : i32
        %get3A_378 = arith.index_cast %rem3A_132 : i32 to index
        %get3A_379 = arith.index_cast %get3A_376 : i32 to index
        %get3A_380 = arith.index_cast %get3A_377 : i32 to index
        %get3A_381 = arith.index_cast %mul3A_375 : i32 to index
        %get3A_382 = tpu.vector_load %arg5[%get3A_378, %get3A_379, %get3A_380, %get3A_381] {strides = array<i32>} : memref<2x4x4x1024xf32, #tpu.memory_space<vmem>>, vector<1x1x1x16xf32>,
        %get3A_383 = vector.shape_cast %get3A_382 : vector<1x1x1x16xf32> to vector<16xf32>
        %add3A_384 = arith.addf %get3A_383, %get3A_329 : vector<16xf32>
        %mul3A_385 = arith.constant 16 : i32
        %mul3A_386 = arith.muli %add3A_321, %mul3A_385 : i32
        %swap3A_387 = arith.constant 3 : i32
        %swap3A_388 = arith.constant 2 : i32
        %swap3A_389 = arith.index_cast %rem3A_132 : i32 to index
        %swap3A_390 = arith.index_cast %swap3A_387 : i32 to index
        %swap3A_391 = arith.index_cast %swap3A_388 : i32 to index
        %swap3A_392 = arith.index_cast %mul3A_386 : i32 to index
        %swap3A_393 = tpu.vector_load %arg7[%swap3A_389, %swap3A_390, %swap3A_391, %swap3A_392] {strides = array<i32>} : memref<2x4x4x1024xf32, #tpu.memory_space<vmem>>, vector<1x1x1x16xf32>,
        %swap3A_394 = vector.shape_cast %swap3A_393 : vector<1x1x1x16xf32> to vector<16xf32>
        %swap3A_395 = vector.shape_cast %add3A_384 : vector<16xf32> to vector<1x1x1x16xf32>
        tpu.vector_store %arg7[%swap3A_389, %swap3A_390, %swap3A_391, %swap3A_392], %swap3A_395 {strides = array<i32>} : memref<2x4x4x1024xf32, #tpu.memory_space<vmem>>, vector<1x1x1x16xf32>,
        %mul3A_396 = arith.constant 16 : i32
        %mul3A_397 = arith.muli %add3A_321, %mul3A_396 : i32
        %get3A_398 = arith.constant 3 : i32
        %get3A_399 = arith.constant 3 : i32
        %get3A_400 = arith.index_cast %rem3A_132 : i32 to index
        %get3A_401 = arith.index_cast %get3A_398 : i32 to index
        %get3A_402 = arith.index_cast %get3A_399 : i32 to index
        %get3A_403 = arith.index_cast %mul3A_397 : i32 to index
        %get3A_404 = tpu.vector_load %arg5[%get3A_400, %get3A_401, %get3A_402, %get3A_403] {strides = array<i32>} : memref<2x4x4x1024xf32, #tpu.memory_space<vmem>>, vector<1x1x1x16xf32>,
        %get3A_405 = vector.shape_cast %get3A_404 : vector<1x1x1x16xf32> to vector<16xf32>
        %add3A_406 = arith.addf %get3A_405, %get3A_329 : vector<16xf32>
        %mul3A_407 = arith.constant 16 : i32
        %mul3A_408 = arith.muli %add3A_321, %mul3A_407 : i32
        %swap3A_409 = arith.constant 3 : i32
        %swap3A_410 = arith.constant 3 : i32
        %swap3A_411 = arith.index_cast %rem3A_132 : i32 to index
        %swap3A_412 = arith.index_cast %swap3A_409 : i32 to index
        %swap3A_413 = arith.index_cast %swap3A_410 : i32 to index
        %swap3A_414 = arith.index_cast %mul3A_408 : i32 to index
        %swap3A_415 = tpu.vector_load %arg7[%swap3A_411, %swap3A_412, %swap3A_413, %swap3A_414] {strides = array<i32>} : memref<2x4x4x1024xf32, #tpu.memory_space<vmem>>, vector<1x1x1x16xf32>,
        %swap3A_416 = vector.shape_cast %swap3A_415 : vector<1x1x1x16xf32> to vector<16xf32>
        %swap3A_417 = vector.shape_cast %add3A_406 : vector<16xf32> to vector<1x1x1x16xf32>
        tpu.vector_store %arg7[%swap3A_411, %swap3A_412, %swap3A_413, %swap3A_414], %swap3A_417 {strides = array<i32>} : memref<2x4x4x1024xf32, #tpu.memory_space<vmem>>, vector<1x1x1x16xf32>,
        %scan3A_418 = arith.constant 2 : i32
        %scan3A_419 = arith.addi %scan3A_217, %scan3A_418 : i32
        %mul3A_420 = arith.constant 1 : i32
        %mul3A_421 = arith.muli %scan3A_419, %mul3A_420 : i32
        %add3A_422 = arith.constant 0 : i32
        %add3A_423 = arith.addi %add3A_422, %mul3A_421 : i32
        %mul3A_424 = arith.constant 16 : i32
        %mul3A_425 = arith.muli %add3A_423, %mul3A_424 : i32
        %get3A_426 = arith.constant 3 : i32
        %get3A_427 = arith.index_cast %rem3A_132 : i32 to index
        %get3A_428 = arith.index_cast %get3A_426 : i32 to index
        %get3A_429 = arith.index_cast %mul3A_425 : i32 to index
        %get3A_430 = tpu.vector_load %arg6[%get3A_427, %get3A_428, %get3A_429] {strides = array<i32>} : memref<2x4x1024xf32, #tpu.memory_space<vmem>>, vector<1x1x16xf32>,
        %get3A_431 = vector.shape_cast %get3A_430 : vector<1x1x16xf32> to vector<16xf32>
        %mul3A_432 = arith.constant 16 : i32
        %mul3A_433 = arith.muli %add3A_423, %mul3A_432 : i32
        %get3A_434 = arith.constant 3 : i32
        %get3A_435 = arith.constant 0 : i32
        %get3A_436 = arith.index_cast %rem3A_132 : i32 to index
        %get3A_437 = arith.index_cast %get3A_434 : i32 to index
        %get3A_438 = arith.index_cast %get3A_435 : i32 to index
        %get3A_439 = arith.index_cast %mul3A_433 : i32 to index
        %get3A_440 = tpu.vector_load %arg5[%get3A_436, %get3A_437, %get3A_438, %get3A_439] {strides = array<i32>} : memref<2x4x4x1024xf32, #tpu.memory_space<vmem>>, vector<1x1x1x16xf32>,
        %get3A_441 = vector.shape_cast %get3A_440 : vector<1x1x1x16xf32> to vector<16xf32>
        %add3A_442 = arith.addf %get3A_441, %get3A_431 : vector<16xf32>
        %mul3A_443 = arith.constant 16 : i32
        %mul3A_444 = arith.muli %add3A_423, %mul3A_443 : i32
        %swap3A_445 = arith.constant 3 : i32
        %swap3A_446 = arith.constant 0 : i32
        %swap3A_447 = arith.index_cast %rem3A_132 : i32 to index
        %swap3A_448 = arith.index_cast %swap3A_445 : i32 to index
        %swap3A_449 = arith.index_cast %swap3A_446 : i32 to index
        %swap3A_450 = arith.index_cast %mul3A_444 : i32 to index
        %swap3A_451 = tpu.vector_load %arg7[%swap3A_447, %swap3A_448, %swap3A_449, %swap3A_450] {strides = array<i32>} : memref<2x4x4x1024xf32, #tpu.memory_space<vmem>>, vector<1x1x1x16xf32>,
        %swap3A_452 = vector.shape_cast %swap3A_451 : vector<1x1x1x16xf32> to vector<16xf32>
        %swap3A_453 = vector.shape_cast %add3A_442 : vector<16xf32> to vector<1x1x1x16xf32>
        tpu.vector_store %arg7[%swap3A_447, %swap3A_448, %swap3A_449, %swap3A_450], %swap3A_453 {strides = array<i32>} : memref<2x4x4x1024xf32, #tpu.memory_space<vmem>>, vector<1x1x1x16xf32>,
        %mul3A_454 = arith.constant 16 : i32
        %mul3A_455 = arith.muli %add3A_423, %mul3A_454 : i32
        %get3A_456 = arith.constant 3 : i32
        %get3A_457 = arith.constant 1 : i32
        %get3A_458 = arith.index_cast %rem3A_132 : i32 to index
        %get3A_459 = arith.index_cast %get3A_456 : i32 to index
        %get3A_460 = arith.index_cast %get3A_457 : i32 to index
        %get3A_461 = arith.index_cast %mul3A_455 : i32 to index
        %get3A_462 = tpu.vector_load %arg5[%get3A_458, %get3A_459, %get3A_460, %get3A_461] {strides = array<i32>} : memref<2x4x4x1024xf32, #tpu.memory_space<vmem>>, vector<1x1x1x16xf32>,
        %get3A_463 = vector.shape_cast %get3A_462 : vector<1x1x1x16xf32> to vector<16xf32>
        %add3A_464 = arith.addf %get3A_463, %get3A_431 : vector<16xf32>
        %mul3A_465 = arith.constant 16 : i32
        %mul3A_466 = arith.muli %add3A_423, %mul3A_465 : i32
        %swap3A_467 = arith.constant 3 : i32
        %swap3A_468 = arith.constant 1 : i32
        %swap3A_469 = arith.index_cast %rem3A_132 : i32 to index
        %swap3A_470 = arith.index_cast %swap3A_467 : i32 to index
        %swap3A_471 = arith.index_cast %swap3A_468 : i32 to index
        %swap3A_472 = arith.index_cast %mul3A_466 : i32 to index
        %swap3A_473 = tpu.vector_load %arg7[%swap3A_469, %swap3A_470, %swap3A_471, %swap3A_472] {strides = array<i32>} : memref<2x4x4x1024xf32, #tpu.memory_space<vmem>>, vector<1x1x1x16xf32>,
        %swap3A_474 = vector.shape_cast %swap3A_473 : vector<1x1x1x16xf32> to vector<16xf32>
        %swap3A_475 = vector.shape_cast %add3A_464 : vector<16xf32> to vector<1x1x1x16xf32>
        tpu.vector_store %arg7[%swap3A_469, %swap3A_470, %swap3A_471, %swap3A_472], %swap3A_475 {strides = array<i32>} : memref<2x4x4x1024xf32, #tpu.memory_space<vmem>>, vector<1x1x1x16xf32>,
        %mul3A_476 = arith.constant 16 : i32
        %mul3A_477 = arith.muli %add3A_423, %mul3A_476 : i32
        %get3A_478 = arith.constant 3 : i32
        %get3A_479 = arith.constant 2 : i32
        %get3A_480 = arith.index_cast %rem3A_132 : i32 to index
        %get3A_481 = arith.index_cast %get3A_478 : i32 to index
        %get3A_482 = arith.index_cast %get3A_479 : i32 to index
        %get3A_483 = arith.index_cast %mul3A_477 : i32 to index
        %get3A_484 = tpu.vector_load %arg5[%get3A_480, %get3A_481, %get3A_482, %get3A_483] {strides = array<i32>} : memref<2x4x4x1024xf32, #tpu.memory_space<vmem>>, vector<1x1x1x16xf32>,
        %get3A_485 = vector.shape_cast %get3A_484 : vector<1x1x1x16xf32> to vector<16xf32>
        %add3A_486 = arith.addf %get3A_485, %get3A_431 : vector<16xf32>
        %mul3A_487 = arith.constant 16 : i32
        %mul3A_488 = arith.muli %add3A_423, %mul3A_487 : i32
        %swap3A_489 = arith.constant 3 : i32
        %swap3A_490 = arith.constant 2 : i32
        %swap3A_491 = arith.index_cast %rem3A_132 : i32 to index
        %swap3A_492 = arith.index_cast %swap3A_489 : i32 to index
        %swap3A_493 = arith.index_cast %swap3A_490 : i32 to index
        %swap3A_494 = arith.index_cast %mul3A_488 : i32 to index
        %swap3A_495 = tpu.vector_load %arg7[%swap3A_491, %swap3A_492, %swap3A_493, %swap3A_494] {strides = array<i32>} : memref<2x4x4x1024xf32, #tpu.memory_space<vmem>>, vector<1x1x1x16xf32>,
        %swap3A_496 = vector.shape_cast %swap3A_495 : vector<1x1x1x16xf32> to vector<16xf32>
        %swap3A_497 = vector.shape_cast %add3A_486 : vector<16xf32> to vector<1x1x1x16xf32>
        tpu.vector_store %arg7[%swap3A_491, %swap3A_492, %swap3A_493, %swap3A_494], %swap3A_497 {strides = array<i32>} : memref<2x4x4x1024xf32, #tpu.memory_space<vmem>>, vector<1x1x1x16xf32>,
        %mul3A_498 = arith.constant 16 : i32
        %mul3A_499 = arith.muli %add3A_423, %mul3A_498 : i32
        %get3A_500 = arith.constant 3 : i32
        %get3A_501 = arith.constant 3 : i32
        %get3A_502 = arith.index_cast %rem3A_132 : i32 to index
        %get3A_503 = arith.index_cast %get3A_500 : i32 to index
        %get3A_504 = arith.index_cast %get3A_501 : i32 to index
        %get3A_505 = arith.index_cast %mul3A_499 : i32 to index
        %get3A_506 = tpu.vector_load %arg5[%get3A_502, %get3A_503, %get3A_504, %get3A_505] {strides = array<i32>} : memref<2x4x4x1024xf32, #tpu.memory_space<vmem>>, vector<1x1x1x16xf32>,
        %get3A_507 = vector.shape_cast %get3A_506 : vector<1x1x1x16xf32> to vector<16xf32>
        %add3A_508 = arith.addf %get3A_507, %get3A_431 : vector<16xf32>
        %mul3A_509 = arith.constant 16 : i32
        %mul3A_510 = arith.muli %add3A_423, %mul3A_509 : i32
        %swap3A_511 = arith.constant 3 : i32
        %swap3A_512 = arith.constant 3 : i32
        %swap3A_513 = arith.index_cast %rem3A_132 : i32 to index
        %swap3A_514 = arith.index_cast %swap3A_511 : i32 to index
        %swap3A_515 = arith.index_cast %swap3A_512 : i32 to index
        %swap3A_516 = arith.index_cast %mul3A_510 : i32 to index
        %swap3A_517 = tpu.vector_load %arg7[%swap3A_513, %swap3A_514, %swap3A_515, %swap3A_516] {strides = array<i32>} : memref<2x4x4x1024xf32, #tpu.memory_space<vmem>>, vector<1x1x1x16xf32>,
        %swap3A_518 = vector.shape_cast %swap3A_517 : vector<1x1x1x16xf32> to vector<16xf32>
        %swap3A_519 = vector.shape_cast %add3A_508 : vector<16xf32> to vector<1x1x1x16xf32>
        tpu.vector_store %arg7[%swap3A_513, %swap3A_514, %swap3A_515, %swap3A_516], %swap3A_519 {strides = array<i32>} : memref<2x4x4x1024xf32, #tpu.memory_space<vmem>>, vector<1x1x1x16xf32>,
        %scan3A_520 = arith.constant 3 : i32
        %scan3A_521 = arith.addi %scan3A_217, %scan3A_520 : i32
        %mul3A_522 = arith.constant 1 : i32
        %mul3A_523 = arith.muli %scan3A_521, %mul3A_522 : i32
        %add3A_524 = arith.constant 0 : i32
        %add3A_525 = arith.addi %add3A_524, %mul3A_523 : i32
        %mul3A_526 = arith.constant 16 : i32
        %mul3A_527 = arith.muli %add3A_525, %mul3A_526 : i32
        %get3A_528 = arith.constant 3 : i32
        %get3A_529 = arith.index_cast %rem3A_132 : i32 to index
        %get3A_530 = arith.index_cast %get3A_528 : i32 to index
        %get3A_531 = arith.index_cast %mul3A_527 : i32 to index
        %get3A_532 = tpu.vector_load %arg6[%get3A_529, %get3A_530, %get3A_531] {strides = array<i32>} : memref<2x4x1024xf32, #tpu.memory_space<vmem>>, vector<1x1x16xf32>,
        %get3A_533 = vector.shape_cast %get3A_532 : vector<1x1x16xf32> to vector<16xf32>
        %mul3A_534 = arith.constant 16 : i32
        %mul3A_535 = arith.muli %add3A_525, %mul3A_534 : i32
        %get3A_536 = arith.constant 3 : i32
        %get3A_537 = arith.constant 0 : i32
        %get3A_538 = arith.index_cast %rem3A_132 : i32 to index
        %get3A_539 = arith.index_cast %get3A_536 : i32 to index
        %get3A_540 = arith.index_cast %get3A_537 : i32 to index
        %get3A_541 = arith.index_cast %mul3A_535 : i32 to index
        %get3A_542 = tpu.vector_load %arg5[%get3A_538, %get3A_539, %get3A_540, %get3A_541] {strides = array<i32>} : memref<2x4x4x1024xf32, #tpu.memory_space<vmem>>, vector<1x1x1x16xf32>,
        %get3A_543 = vector.shape_cast %get3A_542 : vector<1x1x1x16xf32> to vector<16xf32>
        %add3A_544 = arith.addf %get3A_543, %get3A_533 : vector<16xf32>
        %mul3A_545 = arith.constant 16 : i32
        %mul3A_546 = arith.muli %add3A_525, %mul3A_545 : i32
        %swap3A_547 = arith.constant 3 : i32
        %swap3A_548 = arith.constant 0 : i32
        %swap3A_549 = arith.index_cast %rem3A_132 : i32 to index
        %swap3A_550 = arith.index_cast %swap3A_547 : i32 to index
        %swap3A_551 = arith.index_cast %swap3A_548 : i32 to index
        %swap3A_552 = arith.index_cast %mul3A_546 : i32 to index
        %swap3A_553 = tpu.vector_load %arg7[%swap3A_549, %swap3A_550, %swap3A_551, %swap3A_552] {strides = array<i32>} : memref<2x4x4x1024xf32, #tpu.memory_space<vmem>>, vector<1x1x1x16xf32>,
        %swap3A_554 = vector.shape_cast %swap3A_553 : vector<1x1x1x16xf32> to vector<16xf32>
        %swap3A_555 = vector.shape_cast %add3A_544 : vector<16xf32> to vector<1x1x1x16xf32>
        tpu.vector_store %arg7[%swap3A_549, %swap3A_550, %swap3A_551, %swap3A_552], %swap3A_555 {strides = array<i32>} : memref<2x4x4x1024xf32, #tpu.memory_space<vmem>>, vector<1x1x1x16xf32>,
        %mul3A_556 = arith.constant 16 : i32
        %mul3A_557 = arith.muli %add3A_525, %mul3A_556 : i32
        %get3A_558 = arith.constant 3 : i32
        %get3A_559 = arith.constant 1 : i32
        %get3A_560 = arith.index_cast %rem3A_132 : i32 to index
        %get3A_561 = arith.index_cast %get3A_558 : i32 to index
        %get3A_562 = arith.index_cast %get3A_559 : i32 to index
        %get3A_563 = arith.index_cast %mul3A_557 : i32 to index
        %get3A_564 = tpu.vector_load %arg5[%get3A_560, %get3A_561, %get3A_562, %get3A_563] {strides = array<i32>} : memref<2x4x4x1024xf32, #tpu.memory_space<vmem>>, vector<1x1x1x16xf32>,
        %get3A_565 = vector.shape_cast %get3A_564 : vector<1x1x1x16xf32> to vector<16xf32>
        %add3A_566 = arith.addf %get3A_565, %get3A_533 : vector<16xf32>
        %mul3A_567 = arith.constant 16 : i32
        %mul3A_568 = arith.muli %add3A_525, %mul3A_567 : i32
        %swap3A_569 = arith.constant 3 : i32
        %swap3A_570 = arith.constant 1 : i32
        %swap3A_571 = arith.index_cast %rem3A_132 : i32 to index
        %swap3A_572 = arith.index_cast %swap3A_569 : i32 to index
        %swap3A_573 = arith.index_cast %swap3A_570 : i32 to index
        %swap3A_574 = arith.index_cast %mul3A_568 : i32 to index
        %swap3A_575 = tpu.vector_load %arg7[%swap3A_571, %swap3A_572, %swap3A_573, %swap3A_574] {strides = array<i32>} : memref<2x4x4x1024xf32, #tpu.memory_space<vmem>>, vector<1x1x1x16xf32>,
        %swap3A_576 = vector.shape_cast %swap3A_575 : vector<1x1x1x16xf32> to vector<16xf32>
        %swap3A_577 = vector.shape_cast %add3A_566 : vector<16xf32> to vector<1x1x1x16xf32>
        tpu.vector_store %arg7[%swap3A_571, %swap3A_572, %swap3A_573, %swap3A_574], %swap3A_577 {strides = array<i32>} : memref<2x4x4x1024xf32, #tpu.memory_space<vmem>>, vector<1x1x1x16xf32>,
        %mul3A_578 = arith.constant 16 : i32
        %mul3A_579 = arith.muli %add3A_525, %mul3A_578 : i32
        %get3A_580 = arith.constant 3 : i32
        %get3A_581 = arith.constant 2 : i32
        %get3A_582 = arith.index_cast %rem3A_132 : i32 to index
        %get3A_583 = arith.index_cast %get3A_580 : i32 to index
        %get3A_584 = arith.index_cast %get3A_581 : i32 to index
        %get3A_585 = arith.index_cast %mul3A_579 : i32 to index
        %get3A_586 = tpu.vector_load %arg5[%get3A_582, %get3A_583, %get3A_584, %get3A_585] {strides = array<i32>} : memref<2x4x4x1024xf32, #tpu.memory_space<vmem>>, vector<1x1x1x16xf32>,
        %get3A_587 = vector.shape_cast %get3A_586 : vector<1x1x1x16xf32> to vector<16xf32>
        %add3A_588 = arith.addf %get3A_587, %get3A_533 : vector<16xf32>
        %mul3A_589 = arith.constant 16 : i32
        %mul3A_590 = arith.muli %add3A_525, %mul3A_589 : i32
        %swap3A_591 = arith.constant 3 : i32
        %swap3A_592 = arith.constant 2 : i32
        %swap3A_593 = arith.index_cast %rem3A_132 : i32 to index
        %swap3A_594 = arith.index_cast %swap3A_591 : i32 to index
        %swap3A_595 = arith.index_cast %swap3A_592 : i32 to index
        %swap3A_596 = arith.index_cast %mul3A_590 : i32 to index
        %swap3A_597 = tpu.vector_load %arg7[%swap3A_593, %swap3A_594, %swap3A_595, %swap3A_596] {strides = array<i32>} : memref<2x4x4x1024xf32, #tpu.memory_space<vmem>>, vector<1x1x1x16xf32>,
        %swap3A_598 = vector.shape_cast %swap3A_597 : vector<1x1x1x16xf32> to vector<16xf32>
        %swap3A_599 = vector.shape_cast %add3A_588 : vector<16xf32> to vector<1x1x1x16xf32>
        tpu.vector_store %arg7[%swap3A_593, %swap3A_594, %swap3A_595, %swap3A_596], %swap3A_599 {strides = array<i32>} : memref<2x4x4x1024xf32, #tpu.memory_space<vmem>>, vector<1x1x1x16xf32>,
        %mul3A_600 = arith.constant 16 : i32
        %mul3A_601 = arith.muli %add3A_525, %mul3A_600 : i32
        %get3A_602 = arith.constant 3 : i32
        %get3A_603 = arith.constant 3 : i32
        %get3A_604 = arith.index_cast %rem3A_132 : i32 to index
        %get3A_605 = arith.index_cast %get3A_602 : i32 to index
        %get3A_606 = arith.index_cast %get3A_603 : i32 to index
        %get3A_607 = arith.index_cast %mul3A_601 : i32 to index
        %get3A_608 = tpu.vector_load %arg5[%get3A_604, %get3A_605, %get3A_606, %get3A_607] {strides = array<i32>} : memref<2x4x4x1024xf32, #tpu.memory_space<vmem>>, vector<1x1x1x16xf32>,
        %get3A_609 = vector.shape_cast %get3A_608 : vector<1x1x1x16xf32> to vector<16xf32>
        %add3A_610 = arith.addf %get3A_609, %get3A_533 : vector<16xf32>
        %mul3A_611 = arith.constant 16 : i32
        %mul3A_612 = arith.muli %add3A_525, %mul3A_611 : i32
        %swap3A_613 = arith.constant 3 : i32
        %swap3A_614 = arith.constant 3 : i32
        %swap3A_615 = arith.index_cast %rem3A_132 : i32 to index
        %swap3A_616 = arith.index_cast %swap3A_613 : i32 to index
        %swap3A_617 = arith.index_cast %swap3A_614 : i32 to index
        %swap3A_618 = arith.index_cast %mul3A_612 : i32 to index
        %swap3A_619 = tpu.vector_load %arg7[%swap3A_615, %swap3A_616, %swap3A_617, %swap3A_618] {strides = array<i32>} : memref<2x4x4x1024xf32, #tpu.memory_space<vmem>>, vector<1x1x1x16xf32>,
        %swap3A_620 = vector.shape_cast %swap3A_619 : vector<1x1x1x16xf32> to vector<16xf32>
        %swap3A_621 = vector.shape_cast %add3A_610 : vector<16xf32> to vector<1x1x1x16xf32>
        tpu.vector_store %arg7[%swap3A_615, %swap3A_616, %swap3A_617, %swap3A_618], %swap3A_621 {strides = array<i32>} : memref<2x4x4x1024xf32, #tpu.memory_space<vmem>>, vector<1x1x1x16xf32>,
      }
      %scan3A_189 = arith.constant 64 : i32
      %mul3A_190 = arith.constant 4 : i32
      %mul3A_191 = arith.muli %add3A_130, %mul3A_190 : i32
      %add3A_192 = arith.addi %mul3A_2, %mul3A_191 : i32
      %dma_start3A_193 = arith.constant 0 : i32
      %dma_start3A_194 = arith.constant 0 : i32
      %dma_start3A_195 = arith.constant 0 : i32
      %dma_start3A_196 = tpu.memref_slice %arg7[%rem3A_132, %dma_start3A_193, %dma_start3A_194, %dma_start3A_195] : memref<2x4x4x1024xf32, #tpu.memory_space<vmem>> -> memref<1x4x4x1024xf32, #tpu.memory_space<vmem>>
      %dma_start3A_197 = tpu.memref_squeeze %dma_start3A_196 : memref<1x4x4x1024xf32, #tpu.memory_space<vmem>> -> memref<4x4x1024xf32, #tpu.memory_space<vmem>>
      %dma_start3A_198 = arith.constant 0 : i32
      %dma_start3A_199 = arith.constant 0 : i32
      %dma_start3A_200 = tpu.memref_slice %arg4[%add3A_192, %dma_start3A_198, %dma_start3A_199] : memref<8192x4x1024xf32, #tpu.memory_space<hbm>> -> memref<4x4x1024xf32, #tpu.memory_space<hbm>>
      %dma_start3A_201 = tpu.memref_slice %arg10[%rem3A_132] : memref<2x!tpu.dma_semaphore, #tpu.memory_space<semaphore_mem>> -> memref<1x!tpu.dma_semaphore, #tpu.memory_space<semaphore_mem>>
      %dma_start3A_202 = tpu.memref_squeeze %dma_start3A_201 : memref<1x!tpu.dma_semaphore, #tpu.memory_space<semaphore_mem>> -> memref<!tpu.dma_semaphore, #tpu.memory_space<semaphore_mem>>
      %dma_start3A_203 = arith.constant 0 : i32
      %dma_start3A_204 = arith.constant 0 : i32
      %dma_start3A_205 = tpu.memref_slice %arg4[%add3A_192, %dma_start3A_203, %dma_start3A_204] : memref<8192x4x1024xf32, #tpu.memory_space<hbm>> -> memref<4x4x1024xf32, #tpu.memory_space<hbm>>
      %dma_start3A_206 = arith.constant 0 : i32
      %dma_start3A_207 = arith.constant 0 : i32
      %dma_start3A_208 = arith.constant 0 : i32
      %dma_start3A_209 = tpu.memref_slice %arg7[%rem3A_132, %dma_start3A_206, %dma_start3A_207, %dma_start3A_208] : memref<2x4x4x1024xf32, #tpu.memory_space<vmem>> -> memref<1x4x4x1024xf32, #tpu.memory_space<vmem>>
      %dma_start3A_210 = tpu.memref_squeeze %dma_start3A_209 : memref<1x4x4x1024xf32, #tpu.memory_space<vmem>> -> memref<4x4x1024xf32, #tpu.memory_space<vmem>>
      tpu.enqueue_dma source(%dma_start3A_210 : memref<4x4x1024xf32, #tpu.memory_space<vmem>>) target(%dma_start3A_205 : memref<4x4x1024xf32, #tpu.memory_space<hbm>>) target_semaphore(%dma_start3A_202 : memref<!tpu.dma_semaphore, #tpu.memory_space<semaphore_mem>>)
      %add3A_211 = arith.constant 2 : i32
      %add3A_212 = arith.addi %add3A_130, %add3A_211 : i32
      %lt3A = arith.constant 64 : i32
      %lt3A_213 = arith.cmpi slt, %add3A_212, %lt3A : i32
      %convert_element_type3A_214 = arith.extui %lt3A_213 : i1 to i32
      %cond3A_215 = arith.constant 0 : i32
      %cond3A_216 = arith.cmpi ne, %convert_element_type3A_214, %cond3A_215 : i32
      scf.if %cond3A_216 {
        %add3A_217 = arith.constant 2 : i32
        %add3A_218 = arith.addi %add3A_130, %add3A_217 : i32
        %mul3A_219 = arith.constant 4 : i32
        %mul3A_220 = arith.muli %add3A_218, %mul3A_219 : i32
        %add3A_221 = arith.addi %mul3A_2, %mul3A_220 : i32
        %dma_start3A_222 = arith.constant 0 : i32
        %dma_start3A_223 = arith.constant 0 : i32
        %dma_start3A_224 = arith.constant 0 : i32
        %dma_start3A_225 = tpu.memref_slice %arg5[%rem3A_132, %dma_start3A_222, %dma_start3A_223, %dma_start3A_224] : memref<2x4x4x1024xf32, #tpu.memory_space<vmem>> -> memref<1x4x4x1024xf32, #tpu.memory_space<vmem>>
        %dma_start3A_226 = tpu.memref_squeeze %dma_start3A_225 : memref<1x4x4x1024xf32, #tpu.memory_space<vmem>> -> memref<4x4x1024xf32, #tpu.memory_space<vmem>>
        %dma_start3A_227 = arith.constant 0 : i32
        %dma_start3A_228 = arith.constant 0 : i32
        %dma_start3A_229 = tpu.memref_slice %arg2[%add3A_221, %dma_start3A_227, %dma_start3A_228] : memref<8192x4x1024xf32, #tpu.memory_space<hbm>> -> memref<4x4x1024xf32, #tpu.memory_space<hbm>>
        %dma_start3A_230 = tpu.memref_slice %arg8[%rem3A_132] : memref<2x!tpu.dma_semaphore, #tpu.memory_space<semaphore_mem>> -> memref<1x!tpu.dma_semaphore, #tpu.memory_space<semaphore_mem>>
        %dma_start3A_231 = tpu.memref_squeeze %dma_start3A_230 : memref<1x!tpu.dma_semaphore, #tpu.memory_space<semaphore_mem>> -> memref<!tpu.dma_semaphore, #tpu.memory_space<semaphore_mem>>
        %dma_start3A_232 = arith.constant 0 : i32
        %dma_start3A_233 = arith.constant 0 : i32
        %dma_start3A_234 = arith.constant 0 : i32
        %dma_start3A_235 = tpu.memref_slice %arg5[%rem3A_132, %dma_start3A_232, %dma_start3A_233, %dma_start3A_234] : memref<2x4x4x1024xf32, #tpu.memory_space<vmem>> -> memref<1x4x4x1024xf32, #tpu.memory_space<vmem>>
        %dma_start3A_236 = tpu.memref_squeeze %dma_start3A_235 : memref<1x4x4x1024xf32, #tpu.memory_space<vmem>> -> memref<4x4x1024xf32, #tpu.memory_space<vmem>>
        %dma_start3A_237 = arith.constant 0 : i32
        %dma_start3A_238 = arith.constant 0 : i32
        %dma_start3A_239 = tpu.memref_slice %arg2[%add3A_221, %dma_start3A_237, %dma_start3A_238] : memref<8192x4x1024xf32, #tpu.memory_space<hbm>> -> memref<4x4x1024xf32, #tpu.memory_space<hbm>>
        tpu.enqueue_dma source(%dma_start3A_239 : memref<4x4x1024xf32, #tpu.memory_space<hbm>>) target(%dma_start3A_236 : memref<4x4x1024xf32, #tpu.memory_space<vmem>>) target_semaphore(%dma_start3A_231 : memref<!tpu.dma_semaphore, #tpu.memory_space<semaphore_mem>>)
        %dma_start3A_240 = arith.constant 0 : i32
        %dma_start3A_241 = arith.constant 0 : i32
        %dma_start3A_242 = tpu.memref_slice %arg6[%rem3A_132, %dma_start3A_240, %dma_start3A_241] : memref<2x4x1024xf32, #tpu.memory_space<vmem>> -> memref<1x4x1024xf32, #tpu.memory_space<vmem>>
        %dma_start3A_243 = tpu.memref_squeeze %dma_start3A_242 : memref<1x4x1024xf32, #tpu.memory_space<vmem>> -> memref<4x1024xf32, #tpu.memory_space<vmem>>
        %dma_start3A_244 = arith.constant 0 : i32
        %dma_start3A_245 = tpu.memref_slice %arg3[%add3A_221, %dma_start3A_244] : memref<8192x1024xf32, #tpu.memory_space<hbm>> -> memref<4x1024xf32, #tpu.memory_space<hbm>>
        %dma_start3A_246 = tpu.memref_slice %arg9[%rem3A_132] : memref<2x!tpu.dma_semaphore, #tpu.memory_space<semaphore_mem>> -> memref<1x!tpu.dma_semaphore, #tpu.memory_space<semaphore_mem>>
        %dma_start3A_247 = tpu.memref_squeeze %dma_start3A_246 : memref<1x!tpu.dma_semaphore, #tpu.memory_space<semaphore_mem>> -> memref<!tpu.dma_semaphore, #tpu.memory_space<semaphore_mem>>
        %dma_start3A_248 = arith.constant 0 : i32
        %dma_start3A_249 = arith.constant 0 : i32
        %dma_start3A_250 = tpu.memref_slice %arg6[%rem3A_132, %dma_start3A_248, %dma_start3A_249] : memref<2x4x1024xf32, #tpu.memory_space<vmem>> -> memref<1x4x1024xf32, #tpu.memory_space<vmem>>
        %dma_start3A_251 = tpu.memref_squeeze %dma_start3A_250 : memref<1x4x1024xf32, #tpu.memory_space<vmem>> -> memref<4x1024xf32, #tpu.memory_space<vmem>>
        %dma_start3A_252 = arith.constant 0 : i32
        %dma_start3A_253 = tpu.memref_slice %arg3[%add3A_221, %dma_start3A_252] : memref<8192x1024xf32, #tpu.memory_space<hbm>> -> memref<4x1024xf32, #tpu.memory_space<hbm>>
        tpu.enqueue_dma source(%dma_start3A_253 : memref<4x1024xf32, #tpu.memory_space<hbm>>) target(%dma_start3A_251 : memref<4x1024xf32, #tpu.memory_space<vmem>>) target_semaphore(%dma_start3A_247 : memref<!tpu.dma_semaphore, #tpu.memory_space<semaphore_mem>>)
      } else {
      }
    }
    %scan3A_81 = arith.constant 64 : i32
    %rem3A = arith.constant 62 : i32
    %rem3A_82 = arith.constant 2 : i32
    %rem3A_83 = arith.remsi %rem3A, %rem3A_82 : i32
    %add3A_84 = arith.constant 248 : i32
    %add3A_85 = arith.addi %mul3A_2, %add3A_84 : i32
    %dma_wait3A = arith.constant 0 : i32
    %dma_wait3A_86 = arith.constant 0 : i32
    %dma_wait3A_87 = arith.constant 0 : i32
    %dma_wait3A_88 = tpu.memref_slice %arg7[%rem3A_83, %dma_wait3A, %dma_wait3A_86, %dma_wait3A_87] : memref<2x4x4x1024xf32, #tpu.memory_space<vmem>> -> memref<1x4x4x1024xf32, #tpu.memory_space<vmem>>
    %dma_wait3A_89 = tpu.memref_squeeze %dma_wait3A_88 : memref<1x4x4x1024xf32, #tpu.memory_space<vmem>> -> memref<4x4x1024xf32, #tpu.memory_space<vmem>>
    %dma_wait3A_90 = arith.constant 0 : i32
    %dma_wait3A_91 = arith.constant 0 : i32
    %dma_wait3A_92 = tpu.memref_slice %arg4[%add3A_85, %dma_wait3A_90, %dma_wait3A_91] : memref<8192x4x1024xf32, #tpu.memory_space<hbm>> -> memref<4x4x1024xf32, #tpu.memory_space<hbm>>
    %dma_wait3A_93 = tpu.memref_slice %arg10[%rem3A_83] : memref<2x!tpu.dma_semaphore, #tpu.memory_space<semaphore_mem>> -> memref<1x!tpu.dma_semaphore, #tpu.memory_space<semaphore_mem>>
    %dma_wait3A_94 = tpu.memref_squeeze %dma_wait3A_93 : memref<1x!tpu.dma_semaphore, #tpu.memory_space<semaphore_mem>> -> memref<!tpu.dma_semaphore, #tpu.memory_space<semaphore_mem>>
    %dma_wait3A_95 = arith.constant 0 : i32
    %dma_wait3A_96 = arith.constant 0 : i32
    %dma_wait3A_97 = tpu.memref_slice %arg4[%add3A_85, %dma_wait3A_95, %dma_wait3A_96] : memref<8192x4x1024xf32, #tpu.memory_space<hbm>> -> memref<4x4x1024xf32, #tpu.memory_space<hbm>>
    %dma_wait3A_98 = arith.constant 0 : i32
    %dma_wait3A_99 = arith.constant 0 : i32
    %dma_wait3A_100 = arith.constant 0 : i32
    %dma_wait3A_101 = tpu.memref_slice %arg7[%rem3A_83, %dma_wait3A_98, %dma_wait3A_99, %dma_wait3A_100] : memref<2x4x4x1024xf32, #tpu.memory_space<vmem>> -> memref<1x4x4x1024xf32, #tpu.memory_space<vmem>>
    %dma_wait3A_102 = tpu.memref_squeeze %dma_wait3A_101 : memref<1x4x4x1024xf32, #tpu.memory_space<vmem>> -> memref<4x4x1024xf32, #tpu.memory_space<vmem>>
    tpu.wait_dma2 semaphore(%dma_wait3A_94 : memref<!tpu.dma_semaphore, #tpu.memory_space<semaphore_mem>>) src(%dma_wait3A_102 : memref<4x4x1024xf32, #tpu.memory_space<vmem>>) dst(%dma_wait3A_97 : memref<4x4x1024xf32, #tpu.memory_space<hbm>>)
    %rem3A_103 = arith.constant 63 : i32
    %rem3A_104 = arith.constant 2 : i32
    %rem3A_105 = arith.remsi %rem3A_103, %rem3A_104 : i32
    %add3A_106 = arith.constant 252 : i32
    %add3A_107 = arith.addi %mul3A_2, %add3A_106 : i32
    %dma_wait3A_108 = arith.constant 0 : i32
    %dma_wait3A_109 = arith.constant 0 : i32
    %dma_wait3A_110 = arith.constant 0 : i32
    %dma_wait3A_111 = tpu.memref_slice %arg7[%rem3A_105, %dma_wait3A_108, %dma_wait3A_109, %dma_wait3A_110] : memref<2x4x4x1024xf32, #tpu.memory_space<vmem>> -> memref<1x4x4x1024xf32, #tpu.memory_space<vmem>>
    %dma_wait3A_112 = tpu.memref_squeeze %dma_wait3A_111 : memref<1x4x4x1024xf32, #tpu.memory_space<vmem>> -> memref<4x4x1024xf32, #tpu.memory_space<vmem>>
    %dma_wait3A_113 = arith.constant 0 : i32
    %dma_wait3A_114 = arith.constant 0 : i32
    %dma_wait3A_115 = tpu.memref_slice %arg4[%add3A_107, %dma_wait3A_113, %dma_wait3A_114] : memref<8192x4x1024xf32, #tpu.memory_space<hbm>> -> memref<4x4x1024xf32, #tpu.memory_space<hbm>>
    %dma_wait3A_116 = tpu.memref_slice %arg10[%rem3A_105] : memref<2x!tpu.dma_semaphore, #tpu.memory_space<semaphore_mem>> -> memref<1x!tpu.dma_semaphore, #tpu.memory_space<semaphore_mem>>
    %dma_wait3A_117 = tpu.memref_squeeze %dma_wait3A_116 : memref<1x!tpu.dma_semaphore, #tpu.memory_space<semaphore_mem>> -> memref<!tpu.dma_semaphore, #tpu.memory_space<semaphore_mem>>
    %dma_wait3A_118 = arith.constant 0 : i32
    %dma_wait3A_119 = arith.constant 0 : i32
    %dma_wait3A_120 = tpu.memref_slice %arg4[%add3A_107, %dma_wait3A_118, %dma_wait3A_119] : memref<8192x4x1024xf32, #tpu.memory_space<hbm>> -> memref<4x4x1024xf32, #tpu.memory_space<hbm>>
    %dma_wait3A_121 = arith.constant 0 : i32
    %dma_wait3A_122 = arith.constant 0 : i32
    %dma_wait3A_123 = arith.constant 0 : i32
    %dma_wait3A_124 = tpu.memref_slice %arg7[%rem3A_105, %dma_wait3A_121, %dma_wait3A_122, %dma_wait3A_123] : memref<2x4x4x1024xf32, #tpu.memory_space<vmem>> -> memref<1x4x4x1024xf32, #tpu.memory_space<vmem>>
    %dma_wait3A_125 = tpu.memref_squeeze %dma_wait3A_124 : memref<1x4x4x1024xf32, #tpu.memory_space<vmem>> -> memref<4x4x1024xf32, #tpu.memory_space<vmem>>
    tpu.wait_dma2 semaphore(%dma_wait3A_117 : memref<!tpu.dma_semaphore, #tpu.memory_space<semaphore_mem>>) src(%dma_wait3A_125 : memref<4x4x1024xf32, #tpu.memory_space<vmem>>) dst(%dma_wait3A_120 : memref<4x4x1024xf32, #tpu.memory_space<hbm>>)
    return
  }
}

</mosaic_0001>

<sc_bundles>
// kernel: kernel.3.cloned.1.call-start
scs
__scs_entry_jumppad:
0x0: {  	(pc) =	sbr.rel $0x88, $3  }
0x1: {  	(tag) =	ssettag $0x0;
	lr =	simm.s32 $0x1  }
0x2: {  	[smem:$0x3F9F] =	sst lr;
	_ =	strace $0xD0000000  }
0x3: {  	_ = 	snop  }
0x4: {  	_ = 	snop  }
0x5: {  	_ = 	snop  }
0x6: {  	_ = 	snop  }
0x7: {  	_ = 	snop  }
__scs_overlays_trampoline_lowered:
0x8: {  	[smem:$0x3FAE] =	sst s0  }
0x9: {  	[smem:$0x3FAF] =	sst s1  }
0xa: {  	[smem:$0x3FB0] =	sst s2  }
0xb: {  	[smem:$0x3FB1] =	sst s3  }
0xc: {  	[smem:$0x3FB2] =	sst s4  }
0xd: {  	[smem:$0x3FB3] =	sst s5  }
0xe: {  	[smem:$0x3FB4] =	sst s6  }
0xf: {  	[smem:$0x3FB5] =	sst s7  }
0x10: {  	[smem:$0x3FB6] =	sst s8  }
0x11: {  	[smem:$0x3FB7] =	sst s9;
	s0 =	simm.s32 @!p0 $0x0  }
0x12: {  	s1 =	sld [smem:$0x3F9D];
	s0 =	simm.s32 @p0 $0x1  }
0x13: {  	[smem:$0x3FB8] =	sst s0;
	s0 =	simm.s32 @!p1 $0x0  }
0x14: {  	s2 =	sld [smem:$0x3F9C];
	s0 =	simm.s32 @p1 $0x1  }
0x15: {  	[smem:$0x3FB9] =	sst s0;
	s0 =	simm.s32 @!p2 $0x0  }
0x16: {  	s3 =	sld [smem:$0x3FDB];
	s0 =	simm.s32 @p2 $0x1  }
0x17: {  	s4 =	simm.s32 $0x1BF5;
	[smem:$0x3FBB] =	sst s0  }
0x18: {  	s0 =	sld [smem:$0x3F9E];
	_ =	swait.ge [sflag:s4], $0x0  }
0x19: {  	s7 =	sld [smem:$0x3F9F]  }
0x1a: {  	s8 =	sadd.s32 $0xFFFFE003, lr  }
0x1b: {  	s9 =	sadd.s32 $0xFFFFFEF7, lr;
	s5 =	simm.s32 $0xFFFFFFFF;
	p2 =	slt.u32 s8, $0xFFFFF086  }
0x1c: {  	p1 =	slt.u32 s9, $0xF7A;
	s5 =	simm.s32 @!p2 $0x0  }
0x1d: {  	s5 =	simm.s32 @p1 $0x1;
	p0 =	seq.s32 s7, s2  }
0x1e: {  	s7 =	smul.u32 @!p0 $0xF7A, s2;
	p2 =	seq.s32 @!p0 s5, $0x0  }
0x1f: {  	s9 =	smul.u32 $0xF7A, s1;
	s8 =	simm.s32 @!p0 $0x1BF5;
	p2 =	por !p2, p0  }
0x20: {  	[sflag:s8] =	ssyncset.s32 @!p0 $0xFFFFF086;
	s6 =	sadd.s32 @!p0 s3, s7;
	s7 =	simm.s32 @!p0 $0x108  }
0x21: {  	s3 =	sadd.s32 s3, s9;
	s6 =	sadd.s32 @!p0 $0x88, s6;
	s7 =	simm.s32 @p2 $0x1082  }
0x22: {  	[simem:s7], [sflag:s8] =	dma.local @!p0 [hbm:s6], $0xF7A  }
0x23: {  	s9 =	sor.u32 $0xD0000000, s2;
	s6 =	simm.s32 $0x108;
	_ =	swait.ge @!p0 [sflag:s8], $0x0  }
0x24: {  	s3 =	sadd.s32 $0x88, s3;
	s6 =	simm.s32 @!p1 $0x1082;
	[sflag:s4] =	ssyncset.s32 $0xFFFFF086  }
0x25: {  	[simem:s6], [sflag:s4] =	dma.local [hbm:s3], $0xF7A  }
0x26: {  	[smem:$0x3F9F] =	sst s1;
	(tag) =	ssettag s2;
	_ =	strace s9  }
0x27: {  	s1 =	sld [smem:$0x3FAF]  }
0x28: {  	s2 =	sld [smem:$0x3FB0]  }
0x29: {  	s4 =	sld [smem:$0x3FB2]  }
0x2a: {  	p0 =	seq.s32 s5, $0x0;
	s5 =	sld [smem:$0x3FB3]  }
0x2b: {  	s6 =	sld [smem:$0x3FB4]  }
0x2c: {  	s7 =	sld [smem:$0x3FB5]  }
0x2d: {  	s3 =	simm.s32 $0x108;
	s8 =	sld [smem:$0x3FB6]  }
0x2e: {  	s3 =	simm.s32 @!p0 $0x1082;
	s9 =	sld [smem:$0x3FB7]  }
0x2f: {  	lr =	sadd.s32 s0, s3;
	s0 =	sld [smem:$0x3FAE]  }
0x30: {  	s3 =	sld [smem:$0x3FB1]  }
0x31: {  	[smem:$0x3FBA] =	sst s10  }
0x32: {  	s10 =	sld [smem:$0x3FB8];
	_ =	sdelay $0x3  }
0x33: {  	p0 =	seq.s32 s10, $0x1;
	s10 =	sld [smem:$0x3FBA];
	_ =	sdelay $0x3  }
0x34: {  	[smem:$0x3FBA] =	sst s10  }
0x35: {  	s10 =	sld [smem:$0x3FB9];
	_ =	sdelay $0x3  }
0x36: {  	p1 =	seq.s32 s10, $0x1;
	s10 =	sld [smem:$0x3FBA];
	_ =	sdelay $0x3  }
0x37: {  	[smem:$0x3FBA] =	sst s10  }
0x38: {  	s10 =	sld [smem:$0x3FBB]  }
0x39: {  	_ = 	snop;
	(pc) =	sbr.ind lr, $3  }
0x3a: {  	_ = 	snop  }
0x3b: {  	_ = 	snop  }
0x3c: {  	p2 =	seq.s32 s10, $0x1;
	s10 =	sld [smem:$0x3FBA]  }
0x3d: {  	_ =	shalt  }
0x3e: {  	_ =	shalt  }
0x3f: {  	_ =	shalt  }
0x40: {  	_ =	shalt  }
0x41: {  	_ =	shalt  }
0x42: {  	_ =	shalt  }
0x43: {  	_ =	shalt  }
0x44: {  	_ =	shalt  }
0x45: {  	_ =	shalt  }
0x46: {  	_ =	shalt  }
0x47: {  	_ =	shalt  }
0x48: {  	_ =	shalt  }
0x49: {  	_ =	shalt  }
0x4a: {  	_ =	shalt  }
0x4b: {  	_ =	shalt  }
0x4c: {  	_ =	shalt  }
0x4d: {  	_ =	shalt  }
0x4e: {  	_ =	shalt  }
0x4f: {  	_ =	shalt  }
0x50: {  	_ =	shalt  }
0x51: {  	_ =	shalt  }
0x52: {  	_ =	shalt  }
0x53: {  	_ =	shalt  }
0x54: {  	_ =	shalt  }
0x55: {  	_ =	shalt  }
0x56: {  	_ =	shalt  }
0x57: {  	_ =	shalt  }
0x58: {  	_ =	shalt  }
0x59: {  	_ =	shalt  }
0x5a: {  	_ =	shalt  }
0x5b: {  	_ =	shalt  }
0x5c: {  	_ =	shalt  }
0x5d: {  	_ =	shalt  }
0x5e: {  	_ =	shalt  }
0x5f: {  	_ =	shalt  }
0x60: {  	_ =	shalt  }
0x61: {  	_ =	shalt  }
0x62: {  	_ =	shalt  }
0x63: {  	_ =	shalt  }
0x64: {  	_ =	shalt  }
0x65: {  	_ =	shalt  }
0x66: {  	_ =	shalt  }
0x67: {  	_ =	shalt  }
0x68: {  	_ =	shalt  }
0x69: {  	_ =	shalt  }
0x6a: {  	_ =	shalt  }
0x6b: {  	_ =	shalt  }
0x6c: {  	_ =	shalt  }
0x6d: {  	_ =	shalt  }
0x6e: {  	_ =	shalt  }
0x6f: {  	_ =	shalt  }
0x70: {  	_ =	shalt  }
0x71: {  	_ =	shalt  }
0x72: {  	_ =	shalt  }
0x73: {  	_ =	shalt  }
0x74: {  	_ =	shalt  }
0x75: {  	_ =	shalt  }
0x76: {  	_ =	shalt  }
0x77: {  	_ =	shalt  }
0x78: {  	_ =	shalt  }
0x79: {  	_ =	shalt  }
0x7a: {  	_ =	shalt  }
0x7b: {  	_ =	shalt  }
0x7c: {  	_ =	shalt  }
0x7d: {  	_ =	shalt  }
0x7e: {  	_ =	shalt  }
0x7f: {  	_ =	shalt  }
0x80: {  	_ =	shalt  }
0x81: {  	_ =	shalt  }
0x82: {  	_ =	shalt  }
0x83: {  	_ =	shalt  }
0x84: {  	_ =	shalt  }
0x85: {  	_ =	shalt  }
0x86: {  	_ =	shalt  }
0x87: {  	_ =	shalt  }
.Lfunc_end0:
.L_simem_size_0:
called_computation_lowered:
.L_overlay_start_0:
0x88: {  	s2 =	sld [smem:$0x3FD9]  }
0x89: {  	s3 =	sld [smem:$0x3FFE];
	_ =	sdelay $0x1  }
0x8a: {  	s1 =	srdreg.scid  }
0x8b: {  	s0 =	sand.u32 $0x1, s1  }
0x8c: {  	s18 =	sshll.u32 s0, $0xA;
	s2 =	sadd.s32 s3, s2  }
0x8d: {  	s2 =	sadd.s32 s2, s18  }
0x8e: {  	[smem:$0x3FC6] =	sst s2  }
0x8f: {  	_ = 	snop  }
0x90: {  	s2 =	sld [smem:$0x3FC9]  }
0x91: {  	s19 =	sld [smem:$0x3FC8]  }
0x92: {  	s4 =	sld [smem:$0x3FD0];
	(tm) =	ssettm $0x1  }
0x93: {  	s5 =	sld [smem:$0x3FFB];
	_ =	sdelay $0x3  }
0x94: {  	_ =	strace s5  }
0x95: {  	s5 =	sld [smem:$0x3FFC];
	_ =	sdelay $0x3  }
0x96: {  	_ =	strace s5  }
0x97: {  	s5 =	sld [smem:$0x3FFD];
	_ =	sdelay $0x3  }
0x98: {  	_ =	strace s5  }
0x99: {  	_ =	strace $0x8FFFFFFF  }
0x9a: {  	s20 =	sld [smem:$0x3FDB];
	_ =	sdelay $0x1  }
0x9b: {  	s6 =	simm.s32 $_scs_section_size  }
0x9c: {  	s7 =	simm.s32 $_size__tile_overlayer_lowered;
	s8 =	simm.s32 $_tile_overlayer_lowered  }
0x9d: {  	s23 =	simm.s32 $0x1BFF;
	s22 =	sshll.u32 s8, $0x1;
	s5 =	sadd.s32 s6, s20  }
0x9e: {  	s9 =	simm.s32 $0x0;
	s21 =	sshll.u32 s7, $0x1;
	s7 =	sadd.s32 s22, s5  }
0x9f: {  	[timem:s9], [sflag:s23] =	dma.local [hbm:s7], s21  }
0xa0: {  	_ =	swait.ge [sflag:s23], s21  }
0xa1: {  	s6 =	ssub.s32 $0x0, s21;
	[sflag:s23] =	ssyncset.done $0x0  }
0xa2: {  	[sflag:s23] =	ssyncadd.s32 s6;
	_ =	sdelay $0x1  }
0xa3: {  	s24 =	simm.s32 $0x1B8B  }
0xa4: {  	_ =	swait.ge [sflag:s24], $0x1  }
0xa5: {  	[sflag:s24] =	ssyncset.done $0x0  }
0xa6: {  	s25 =	simm.s32 $0x1B8E;
	[sflag:s24] =	ssyncadd.s32 $0xFFFFFFFF  }
0xa7: {  	s26 =	simm.s32 $execute0_lowered;
	[smem:$0x3FD2] =	sst s25  }
0xa8: {  	s6 =	sshll.u32 s26, $0x1;
	_ =	strace $0x80000046;
	[dreg:$0x1] =	wrdreg $0xFFFFFFFF  }
0xa9: {  	s28 =	simm.s32 $_size_execute0_lowered;
	s5 =	sadd.s32 s5, s6;
	[dreg:$0x0] =	wrdreg $0x0  }
0xaa: {  	s6 =	sshll.u32 s28, $0x1;
	[dreg:$0x2] =	wrdreg s5  }
0xab: {  	[dreg:$0x3] =	wrdreg s6  }
0xac: {  	[dreg:$0x4] =	wrdreg $0xC0  }
0xad: {  	_ =	task [dreg:s9], $0x5FFFF  }
0xae: {  	[dreg:$0x1] =	wrdreg $0xFFFFFFFF  }
0xaf: {  	[dreg:$0x0] =	wrdreg $0x60  }
0xb0: {  	[dreg:$0x2] =	wrdreg s2  }
0xb1: {  	[dreg:$0x3] =	wrdreg s19  }
0xb2: {  	[dreg:$0x4] =	wrdreg s4  }
0xb3: {  	[dreg:$0x5] =	wrdreg $0x9  }
0xb4: {  	_ =	task.clear_ibuf [dreg:s9], $0x6FFFF;
	_ =	strace $0x90000046  }
0xb5: {  	s29 =	simm.s32 $0x9;
	_ =	strace $0x80000048  }
0xb6: {  	_ =	swait.ge [sflag:s29], $0x1  }
0xb7: {  	[sflag:s29] =	ssyncadd.s32 $0xFFFFFFFF  }
0xb8: {  	_ =	strace $0x90000048  }
0xb9: {  	_ =	sfence  }
0xba: {  	s30 =	sld [smem:$0x0];
	_ =	sdelay $0x2  }
0xbb: {  	s31 =	sshll.u32 s1, $0xD;
	s1 =	sshrl.u32 s1, $0x2  }
0xbc: {  	s3 =	sand.u32 $0x4000, s31;
	s1 =	sadd.s32 s1, s30  }
0xbd: {  	s0 =	sor.u32 s3, s0;
	s1 =	sshll.u32 s1, $0x11  }
0xbe: {  	s0 =	sor.u32 s1, s0  }
0xbf: {  	s0 =	sadd.s32 $0x8F2B, s0  }
0xc0: {  	[sflag:s0] =	ssyncadd.remote.s32 $0x1  }
0xc1: {  	_ =	sfence.sel $0xFFFF  }
0xc2: {  	[dreg:$0x0] =	wrdreg $0xFFFFFFFF;
	(pc) =	sbr.abs _section_cstart, $3  }
0xc3: {  	[dreg:$0x1] =	wrdreg $0xFFFFFFFF  }
0xc4: {  	_ =	task.clear_ibuf [dreg:s9], $0x2FFFF;
	_ =	strace $0x9FFFFFFF  }
0xc5: {  	(tm) =	ssettm $0x7FFFFFFF  }
tec
execute0_lowered:
.L_overlay_start_1:
0x0: {  	(tag) =	ssettag $0x1  }
0x1: {  	s1 =	rddreg [dreg:$0x0]  }
0x2: {  	s3 =	rddreg [dreg:$0x1]  }
0x3: {  	s0 =	rddreg [dreg:$0x2]  }
0x4: {  	s2 =	srdreg.scid;
	s5 =	stileid.u32  }
0x5: {  	s4 =	simm.s32 $0x0;
	s17 =	simm.s32 $0x5;
	s2 =	sand.u32 $0x1, s2  }
0x6: {  	s18 =	simm.s32 $0x6;
	s5 =	sshll.u32 s5, $0x9;
	s6 =	sshll.u32 s2, $0x8  }
0x7: {  	s19 =	simm.s32 $0x0;
	[smem:$0x7FF] =	sst s4;
	s10 =	sor.u32 s6, s5  }
0x8: {  	_ =	strace $0x80000047;
	s2 =	ssub.s32 $0x2, s2;
	s9 =	sshll.u32 s10, $0x9  }
0x9: {  	s29 =	sshrl.u32 s2, $0x1;
	s7 =	sshll.u32 s10, $0x7;
	s5 =	sadd.s32 s1, s9  }
0xa: {  	s2 =	ssub.s32 s2, s29;
	s6 =	sadd.s32 s3, s7;
	s30 =	sadd.s32 $0x800, s5  }
0xb: {  	s10 =	sor.u32 $0x8, s10;
	s31 =	sadd.s32 $0x40, s6;
	[dreg:$0x4] =	wrdreg s30  }
0xc: {  	s9 =	sadd.s32 s0, s9;
	s11 =	smax.u32 s2, $0x1;
	[dreg:$0x5] =	wrdreg s31  }
.LBB2_1:
0xd: {  	[tilespmem:s4], [sflag:$0x1] =	stream.linear.gather [hbm4b:s5+s4], $0x4000, $0x38;
	[tilespmem:$0x12000] =	vst v63  }
0xe: {  	s2 =	simm.s32 $0x200;
	s7 =	simm.s32 $0x400;
	s0 =	simm.s32 $0x8000  }
0xf: {  	[tilespmem:s0], [sflag:$0x3] =	stream.strided.gather [hbm4b:s6+s2], $0x1000, s7, s2, $0x38;
	[tilespmem:$0x12000] =	vst v63  }
0x10: {  	s29 =	rddreg [dreg:$0x4];
	s8 =	simm.s32 $0x4000  }
0x11: {  	[tilespmem:s8], [sflag:$0x2] =	stream.linear.gather [hbm4b:s29+s4], $0x4000, $0x38;
	[tilespmem:$0x12000] =	vst v63  }
0x12: {  	s30 =	rddreg [dreg:$0x5];
	s31 =	simm.s32 $0x9000;
	s20 =	simm.s32 $0x0  }
0x13: {  	[tilespmem:s31], [sflag:$0x4] =	stream.strided.gather [hbm4b:s30+s2], $0x1000, s7, s2, $0x38;
	[tilespmem:$0x12000] =	vst v63  }
.LBB2_2:
0x14: {  	s24 =	sand.u32 $0x1, s20  }
0x15: {  	s22 =	sadd.s32 $0x1, s24  }
0x16: {  	_ =	swait.ge [sflag:s22], $0x4000  }
0x17: {  	[sflag:s22] =	ssyncset.done $0x0  }
0x18: {  	s21 =	sadd.s32 $0x3, s24;
	[sflag:s22] =	ssyncadd.s32 $0xFFFFC000  }
0x19: {  	p0 =	sgt.u32 s20, $0x1;
	_ =	swait.ge [sflag:s21], $0x1000  }
0x1a: {  	s26 =	simm.s32 $0x0;
	s25 =	sshll.u32 s24, $0xE;
	[sflag:s21] =	ssyncset.done $0x0  }
0x1b: {  	s0 =	sadd.s32 @p0 $0x5, s24;
	s2 =	sshrl.u32 s25, $0x2;
	[sflag:s21] =	ssyncadd.s32 $0xFFFFF000  }
0x1c: {  	s30 =	sand.u32 $0xE00, s26;
	s23 =	sor.u32 $0x8000, s2;
	_ =	swait.ge @p0 [sflag:s0], $0x4000  }
0x1d: {  	s31 =	sand.u32 $0x40, s26;
	s14 =	sadd.s32 s30, s23;
	[sflag:s0] =	ssyncset.done @p0 $0x0  }
0x1e: {  	s15 =	sadd.s32 s31, s14;
	[sflag:s0] =	ssyncadd.s32 @p0 $0xFFFFC000;
	s0 =	sor.u32 s25, s30  }
0x1f: {  	s28 =	sor.u32 s31, s0;
	v0 =	vld [tilespmem:s15+$0x0]  }
0x20: {  	v1 =	vld [tilespmem:s28+$0x0];
	_ =	sdelay $0x4  }
0x21: {  	v1 =	vadd.f32 v1, v0;
	_ =	sdelay $0x1  }
0x22: {  	s7 =	sor.u32 $0x80, s28;
	[tilespmem:s28+$0xA000] =	vst v1  }
0x23: {  	v1 =	vld [tilespmem:s7+$0x0];
	_ =	sdelay $0x4  }
0x24: {  	v1 =	vadd.f32 v1, v0;
	_ =	sdelay $0x1  }
0x25: {  	s8 =	sor.u32 $0x100, s28;
	[tilespmem:s28+$0xA080] =	vst v1  }
0x26: {  	v1 =	vld [tilespmem:s8+$0x0];
	_ =	sdelay $0x4  }
0x27: {  	v1 =	vadd.f32 v1, v0;
	_ =	sdelay $0x1  }
0x28: {  	s12 =	sor.u32 $0x180, s28;
	[tilespmem:s28+$0xA100] =	vst v1  }
0x29: {  	v1 =	vld [tilespmem:s12+$0x0];
	_ =	sdelay $0x4  }
0x2a: {  	v0 =	vadd.f32 v1, v0  }
0x2b: {  	s13 =	sor.u32 $0x10, s31  }
0x2c: {  	s29 =	sadd.s32 s13, s14;
	[tilespmem:s28+$0xA180] =	vst v0  }
0x2d: {  	s15 =	sor.u32 s13, s0;
	v0 =	vld [tilespmem:s29+$0x0]  }
0x2e: {  	v1 =	vld [tilespmem:s15+$0x0];
	_ =	sdelay $0x4  }
0x2f: {  	v1 =	vadd.f32 v1, v0;
	_ =	sdelay $0x1  }
0x30: {  	s28 =	sor.u32 $0x80, s15;
	[tilespmem:s15+$0xA000] =	vst v1  }
0x31: {  	v1 =	vld [tilespmem:s28+$0x0];
	_ =	sdelay $0x4  }
0x32: {  	v1 =	vadd.f32 v1, v0;
	_ =	sdelay $0x1  }
0x33: {  	s28 =	sor.u32 $0x100, s15;
	[tilespmem:s15+$0xA080] =	vst v1  }
0x34: {  	v1 =	vld [tilespmem:s28+$0x0];
	_ =	sdelay $0x4  }
0x35: {  	v1 =	vadd.f32 v1, v0;
	_ =	sdelay $0x1  }
0x36: {  	s28 =	sor.u32 $0x180, s15;
	[tilespmem:s15+$0xA100] =	vst v1  }
0x37: {  	v1 =	vld [tilespmem:s28+$0x0];
	_ =	sdelay $0x4  }
0x38: {  	v0 =	vadd.f32 v1, v0  }
0x39: {  	s28 =	sor.u32 $0x20, s31  }
0x3a: {  	s29 =	sadd.s32 s28, s14;
	[tilespmem:s15+$0xA180] =	vst v0  }
0x3b: {  	s16 =	sor.u32 s28, s0;
	v0 =	vld [tilespmem:s29+$0x0]  }
0x3c: {  	v1 =	vld [tilespmem:s16+$0x0];
	_ =	sdelay $0x4  }
0x3d: {  	v1 =	vadd.f32 v1, v0;
	_ =	sdelay $0x1  }
0x3e: {  	s28 =	sor.u32 $0x80, s16;
	[tilespmem:s16+$0xA000] =	vst v1  }
0x3f: {  	v1 =	vld [tilespmem:s28+$0x0];
	_ =	sdelay $0x4  }
0x40: {  	v1 =	vadd.f32 v1, v0;
	_ =	sdelay $0x1  }
0x41: {  	s28 =	sor.u32 $0x100, s16;
	[tilespmem:s16+$0xA080] =	vst v1  }
0x42: {  	v1 =	vld [tilespmem:s28+$0x0];
	_ =	sdelay $0x4  }
0x43: {  	v1 =	vadd.f32 v1, v0;
	_ =	sdelay $0x1  }
0x44: {  	s28 =	sor.u32 $0x180, s16;
	[tilespmem:s16+$0xA100] =	vst v1  }
0x45: {  	v1 =	vld [tilespmem:s28+$0x0];
	_ =	sdelay $0x4  }
0x46: {  	v0 =	vadd.f32 v1, v0  }
0x47: {  	s2 =	sor.u32 $0x30, s31  }
0x48: {  	s14 =	sadd.s32 s2, s14;
	[tilespmem:s16+$0xA180] =	vst v0  }
0x49: {  	s2 =	sor.u32 s2, s0;
	v0 =	vld [tilespmem:s14+$0x0]  }
0x4a: {  	v1 =	vld [tilespmem:s2+$0x0];
	_ =	sdelay $0x4  }
0x4b: {  	v1 =	vadd.f32 v1, v0;
	_ =	sdelay $0x1  }
0x4c: {  	s0 =	sor.u32 $0x80, s2;
	[tilespmem:s2+$0xA000] =	vst v1  }
0x4d: {  	v1 =	vld [tilespmem:s0+$0x0];
	_ =	sdelay $0x4  }
0x4e: {  	v1 =	vadd.f32 v1, v0;
	_ =	sdelay $0x1  }
0x4f: {  	s30 =	sor.u32 $0x100, s2;
	[tilespmem:s2+$0xA080] =	vst v1  }
0x50: {  	v1 =	vld [tilespmem:s30+$0x0];
	_ =	sdelay $0x4  }
0x51: {  	v1 =	vadd.f32 v1, v0;
	_ =	sdelay $0x1  }
0x52: {  	s31 =	sor.u32 $0x180, s2;
	[tilespmem:s2+$0xA100] =	vst v1  }
0x53: {  	s29 =	simm.s32 $0x0;
	s28 =	simm.s32 $0x0;
	v1 =	vld [tilespmem:s31+$0x0]  }
.LBB2_3:
0x54: {  	_ =	sdelay $0x1  }
0x55: {  	s28 =	sadd.s32 $0x4, s28;
	s26 =	sadd.s32 $0x100, s26;
	s29 =	sadd.s32 $0x40, s29  }
0x56: {  	p0 =	slt.u32 s28, $0x3C  }
0x57: {  	s0 =	sand.u32 $0xE00, s26;
	v0 =	vadd.f32 v1, v0  }
0x58: {  	s14 =	sand.u32 $0x40, s29;
	s15 =	sadd.s32 s0, s23;
	s30 =	sor.u32 s25, s0  }
0x59: {  	s12 =	sor.u32 $0x10, s14;
	s0 =	sadd.s32 s14, s15;
	s16 =	sor.u32 s14, s30;
	[tilespmem:s2+$0xA180] =	vst v0  }
0x5a: {  	s31 =	sor.u32 $0x30, s14;
	s13 =	sadd.s32 s12, s15;
	s2 =	sor.u32 $0x20, s14;
	v0 =	vld [tilespmem:s0+$0x0]  }
0x5b: {  	s14 =	sadd.s32 s2, s15;
	s0 =	sadd.s32 s31, s15;
	v1 =	vld [tilespmem:s16+$0x0];
	_ =	sdelay $0x4  }
0x5c: {  	v1 =	vadd.f32 v1, v0  }
0x5d: {  	s15 =	sor.u32 $0x80, s16  }
0x5e: {  	[tilespmem:s16+$0xA000] =	vst v1  }
0x5f: {  	v1 =	vld [tilespmem:s15+$0x0];
	_ =	sdelay $0x4  }
0x60: {  	v1 =	vadd.f32 v1, v0  }
0x61: {  	s15 =	sor.u32 $0x100, s16  }
0x62: {  	[tilespmem:s16+$0xA080] =	vst v1  }
0x63: {  	v1 =	vld [tilespmem:s15+$0x0];
	_ =	sdelay $0x4  }
0x64: {  	v1 =	vadd.f32 v1, v0  }
0x65: {  	s15 =	sor.u32 $0x180, s16  }
0x66: {  	[tilespmem:s16+$0xA100] =	vst v1  }
0x67: {  	v1 =	vld [tilespmem:s15+$0x0];
	_ =	sdelay $0x4  }
0x68: {  	v0 =	vadd.f32 v1, v0;
	_ =	sdelay $0x1  }
0x69: {  	s12 =	sor.u32 s12, s30;
	[tilespmem:s16+$0xA180] =	vst v0  }
0x6a: {  	v0 =	vld [tilespmem:s13+$0x0]  }
0x6b: {  	v1 =	vld [tilespmem:s12+$0x0];
	_ =	sdelay $0x4  }
0x6c: {  	s13 =	sor.u32 $0x80, s12;
	v1 =	vadd.f32 v1, v0;
	_ =	sdelay $0x1  }
0x6d: {  	[tilespmem:s12+$0xA000] =	vst v1  }
0x6e: {  	v1 =	vld [tilespmem:s13+$0x0];
	_ =	sdelay $0x4  }
0x6f: {  	s13 =	sor.u32 $0x100, s12;
	v1 =	vadd.f32 v1, v0;
	_ =	sdelay $0x1  }
0x70: {  	[tilespmem:s12+$0xA080] =	vst v1  }
0x71: {  	v1 =	vld [tilespmem:s13+$0x0];
	_ =	sdelay $0x4  }
0x72: {  	s13 =	sor.u32 $0x180, s12;
	v1 =	vadd.f32 v1, v0;
	_ =	sdelay $0x1  }
0x73: {  	[tilespmem:s12+$0xA100] =	vst v1  }
0x74: {  	v1 =	vld [tilespmem:s13+$0x0];
	_ =	sdelay $0x4  }
0x75: {  	v0 =	vadd.f32 v1, v0;
	_ =	sdelay $0x1  }
0x76: {  	s2 =	sor.u32 s2, s30;
	[tilespmem:s12+$0xA180] =	vst v0  }
0x77: {  	v0 =	vld [tilespmem:s14+$0x0]  }
0x78: {  	v1 =	vld [tilespmem:s2+$0x0];
	_ =	sdelay $0x3  }
0x79: {  	s12 =	sor.u32 $0x80, s2  }
0x7a: {  	v1 =	vadd.f32 v1, v0;
	_ =	sdelay $0x1  }
0x7b: {  	[tilespmem:s2+$0xA000] =	vst v1  }
0x7c: {  	v1 =	vld [tilespmem:s12+$0x0];
	_ =	sdelay $0x3  }
0x7d: {  	s12 =	sor.u32 $0x100, s2  }
0x7e: {  	v1 =	vadd.f32 v1, v0;
	_ =	sdelay $0x1  }
0x7f: {  	[tilespmem:s2+$0xA080] =	vst v1  }
0x80: {  	v1 =	vld [tilespmem:s12+$0x0];
	_ =	sdelay $0x3  }
0x81: {  	s12 =	sor.u32 $0x180, s2  }
0x82: {  	v1 =	vadd.f32 v1, v0;
	_ =	sdelay $0x1  }
0x83: {  	[tilespmem:s2+$0xA100] =	vst v1  }
0x84: {  	v1 =	vld [tilespmem:s12+$0x0];
	_ =	sdelay $0x4  }
0x85: {  	v0 =	vadd.f32 v1, v0;
	_ =	sdelay $0x1  }
0x86: {  	[tilespmem:s2+$0xA180] =	vst v0;
	s2 =	sor.u32 s31, s30  }
0x87: {  	v0 =	vld [tilespmem:s0+$0x0]  }
0x88: {  	v1 =	vld [tilespmem:s2+$0x0];
	_ =	sdelay $0x2  }
0x89: {  	s0 =	sor.u32 $0x80, s2;
	_ =	sdelay $0x1  }
0x8a: {  	v1 =	vadd.f32 v1, v0;
	_ =	sdelay $0x1  }
0x8b: {  	[tilespmem:s2+$0xA000] =	vst v1  }
0x8c: {  	v1 =	vld [tilespmem:s0+$0x0];
	_ =	sdelay $0x2  }
0x8d: {  	s0 =	sor.u32 $0x100, s2;
	_ =	sdelay $0x1  }
0x8e: {  	v1 =	vadd.f32 v1, v0;
	_ =	sdelay $0x1  }
0x8f: {  	[tilespmem:s2+$0xA080] =	vst v1  }
0x90: {  	v1 =	vld [tilespmem:s0+$0x0];
	_ =	sdelay $0x2  }
0x91: {  	s0 =	sor.u32 $0x180, s2  }
.Ltmp0:
0x92: {  	(pc) =	sbr.rel @p0 .LBB2_3-.Ltmp0, $3  }
0x93: {  	v1 =	vadd.f32 v1, v0;
	_ =	sdelay $0x1  }
0x94: {  	[tilespmem:s2+$0xA100] =	vst v1  }
0x95: {  	v1 =	vld [tilespmem:s0+$0x0]  }
0x96: {  	_ =	sdelay $0x3  }
0x97: {  	s28 =	simm.s32 $0x0;
	v0 =	vadd.f32 v1, v0  }
0x98: {  	s0 =	sand.u32 $0xE00, s28  }
0x99: {  	s26 =	sor.u32 $0x1000, s25;
	s12 =	sadd.s32 s0, s23;
	[tilespmem:s2+$0xA180] =	vst v0;
	s2 =	sand.u32 $0x40, s28  }
0x9a: {  	s0 =	sor.u32 s26, s0;
	s13 =	sadd.s32 s2, s12  }
0x9b: {  	s14 =	sor.u32 s2, s0;
	v0 =	vld [tilespmem:s13+$0x80]  }
0x9c: {  	v1 =	vld [tilespmem:s14+$0x0];
	_ =	sdelay $0x4  }
0x9d: {  	v1 =	vadd.f32 v1, v0;
	_ =	sdelay $0x1  }
0x9e: {  	s8 =	sor.u32 $0x80, s14;
	[tilespmem:s14+$0xA000] =	vst v1  }
0x9f: {  	v1 =	vld [tilespmem:s8+$0x0];
	_ =	sdelay $0x4  }
0xa0: {  	v1 =	vadd.f32 v1, v0;
	_ =	sdelay $0x1  }
0xa1: {  	s15 =	sor.u32 $0x100, s14;
	[tilespmem:s14+$0xA080] =	vst v1  }
0xa2: {  	v1 =	vld [tilespmem:s15+$0x0];
	_ =	sdelay $0x4  }
0xa3: {  	v1 =	vadd.f32 v1, v0;
	_ =	sdelay $0x1  }
0xa4: {  	s16 =	sor.u32 $0x180, s14;
	[tilespmem:s14+$0xA100] =	vst v1  }
0xa5: {  	v1 =	vld [tilespmem:s16+$0x0];
	_ =	sdelay $0x4  }
0xa6: {  	v0 =	vadd.f32 v1, v0  }
0xa7: {  	s31 =	sor.u32 $0x10, s2  }
0xa8: {  	s15 =	sadd.s32 s31, s12;
	[tilespmem:s14+$0xA180] =	vst v0  }
0xa9: {  	s13 =	sor.u32 s31, s0;
	v0 =	vld [tilespmem:s15+$0x80]  }
0xaa: {  	v1 =	vld [tilespmem:s13+$0x0];
	_ =	sdelay $0x4  }
0xab: {  	v1 =	vadd.f32 v1, v0;
	_ =	sdelay $0x1  }
0xac: {  	s7 =	sor.u32 $0x80, s13;
	[tilespmem:s13+$0xA000] =	vst v1  }
0xad: {  	v1 =	vld [tilespmem:s7+$0x0];
	_ =	sdelay $0x4  }
0xae: {  	v1 =	vadd.f32 v1, v0;
	_ =	sdelay $0x1  }
0xaf: {  	s8 =	sor.u32 $0x100, s13;
	[tilespmem:s13+$0xA080] =	vst v1  }
0xb0: {  	v1 =	vld [tilespmem:s8+$0x0];
	_ =	sdelay $0x4  }
0xb1: {  	v1 =	vadd.f32 v1, v0;
	_ =	sdelay $0x1  }
0xb2: {  	s15 =	sor.u32 $0x180, s13;
	[tilespmem:s13+$0xA100] =	vst v1  }
0xb3: {  	v1 =	vld [tilespmem:s15+$0x0];
	_ =	sdelay $0x4  }
0xb4: {  	v0 =	vadd.f32 v1, v0  }
0xb5: {  	s16 =	sor.u32 $0x20, s2  }
0xb6: {  	s31 =	sadd.s32 s16, s12;
	[tilespmem:s13+$0xA180] =	vst v0  }
0xb7: {  	s7 =	sor.u32 s16, s0;
	v0 =	vld [tilespmem:s31+$0x80]  }
0xb8: {  	v1 =	vld [tilespmem:s7+$0x0];
	_ =	sdelay $0x4  }
0xb9: {  	v1 =	vadd.f32 v1, v0;
	_ =	sdelay $0x1  }
0xba: {  	s14 =	sor.u32 $0x80, s7;
	[tilespmem:s7+$0xA000] =	vst v1  }
0xbb: {  	v1 =	vld [tilespmem:s14+$0x0];
	_ =	sdelay $0x4  }
0xbc: {  	v1 =	vadd.f32 v1, v0;
	_ =	sdelay $0x1  }
0xbd: {  	s8 =	sor.u32 $0x100, s7;
	[tilespmem:s7+$0xA080] =	vst v1  }
0xbe: {  	v1 =	vld [tilespmem:s8+$0x0];
	_ =	sdelay $0x4  }
0xbf: {  	v1 =	vadd.f32 v1, v0;
	_ =	sdelay $0x1  }
0xc0: {  	s15 =	sor.u32 $0x180, s7;
	[tilespmem:s7+$0xA100] =	vst v1  }
0xc1: {  	v1 =	vld [tilespmem:s15+$0x0];
	_ =	sdelay $0x4  }
0xc2: {  	v0 =	vadd.f32 v1, v0  }
0xc3: {  	s2 =	sor.u32 $0x30, s2  }
0xc4: {  	s12 =	sadd.s32 s2, s12;
	[tilespmem:s7+$0xA180] =	vst v0  }
0xc5: {  	s0 =	sor.u32 s2, s0;
	v0 =	vld [tilespmem:s12+$0x80]  }
0xc6: {  	v1 =	vld [tilespmem:s0+$0x0];
	_ =	sdelay $0x4  }
0xc7: {  	v1 =	vadd.f32 v1, v0;
	_ =	sdelay $0x1  }
0xc8: {  	s2 =	sor.u32 $0x80, s0;
	[tilespmem:s0+$0xA000] =	vst v1  }
0xc9: {  	v1 =	vld [tilespmem:s2+$0x0];
	_ =	sdelay $0x4  }
0xca: {  	v1 =	vadd.f32 v1, v0;
	_ =	sdelay $0x1  }
0xcb: {  	s16 =	sor.u32 $0x100, s0;
	[tilespmem:s0+$0xA080] =	vst v1  }
0xcc: {  	v1 =	vld [tilespmem:s16+$0x0];
	_ =	sdelay $0x4  }
0xcd: {  	v1 =	vadd.f32 v1, v0;
	_ =	sdelay $0x1  }
0xce: {  	s31 =	sor.u32 $0x180, s0;
	[tilespmem:s0+$0xA100] =	vst v1  }
0xcf: {  	s29 =	simm.s32 $0x0;
	s30 =	simm.s32 $0x0;
	v1 =	vld [tilespmem:s31+$0x0]  }
.LBB2_5:
0xd0: {  	_ =	sdelay $0x1  }
0xd1: {  	s29 =	sadd.s32 $0x4, s29;
	s28 =	sadd.s32 $0x100, s28;
	s30 =	sadd.s32 $0x40, s30  }
0xd2: {  	p0 =	slt.u32 s29, $0x3C  }
0xd3: {  	s2 =	sand.u32 $0xE00, s28;
	v0 =	vadd.f32 v1, v0  }
0xd4: {  	s12 =	sand.u32 $0x40, s30;
	s13 =	sadd.s32 s2, s23;
	s31 =	sor.u32 s26, s2  }
0xd5: {  	s7 =	sor.u32 $0x10, s12;
	s2 =	sadd.s32 s12, s13;
	s16 =	sor.u32 s12, s31;
	[tilespmem:s0+$0xA180] =	vst v0  }
0xd6: {  	s14 =	sor.u32 $0x20, s12;
	s8 =	sadd.s32 s7, s13;
	s0 =	sor.u32 $0x30, s12;
	v0 =	vld [tilespmem:s2+$0x80]  }
0xd7: {  	s15 =	sadd.s32 s14, s13;
	s2 =	sadd.s32 s0, s13;
	v1 =	vld [tilespmem:s16+$0x0];
	_ =	sdelay $0x4  }
0xd8: {  	v1 =	vadd.f32 v1, v0  }
0xd9: {  	s12 =	sor.u32 $0x80, s16  }
0xda: {  	[tilespmem:s16+$0xA000] =	vst v1  }
0xdb: {  	v1 =	vld [tilespmem:s12+$0x0];
	_ =	sdelay $0x4  }
0xdc: {  	v1 =	vadd.f32 v1, v0  }
0xdd: {  	s12 =	sor.u32 $0x100, s16  }
0xde: {  	[tilespmem:s16+$0xA080] =	vst v1  }
0xdf: {  	v1 =	vld [tilespmem:s12+$0x0];
	_ =	sdelay $0x4  }
0xe0: {  	v1 =	vadd.f32 v1, v0  }
0xe1: {  	s12 =	sor.u32 $0x180, s16  }
0xe2: {  	[tilespmem:s16+$0xA100] =	vst v1  }
0xe3: {  	v1 =	vld [tilespmem:s12+$0x0];
	_ =	sdelay $0x4  }
0xe4: {  	v0 =	vadd.f32 v1, v0;
	_ =	sdelay $0x1  }
0xe5: {  	s7 =	sor.u32 s7, s31;
	[tilespmem:s16+$0xA180] =	vst v0  }
0xe6: {  	v0 =	vld [tilespmem:s8+$0x80]  }
0xe7: {  	v1 =	vld [tilespmem:s7+$0x0];
	_ =	sdelay $0x4  }
0xe8: {  	s8 =	sor.u32 $0x80, s7;
	v1 =	vadd.f32 v1, v0;
	_ =	sdelay $0x1  }
0xe9: {  	[tilespmem:s7+$0xA000] =	vst v1  }
0xea: {  	v1 =	vld [tilespmem:s8+$0x0];
	_ =	sdelay $0x4  }
0xeb: {  	s8 =	sor.u32 $0x100, s7;
	v1 =	vadd.f32 v1, v0;
	_ =	sdelay $0x1  }
0xec: {  	[tilespmem:s7+$0xA080] =	vst v1  }
0xed: {  	v1 =	vld [tilespmem:s8+$0x0];
	_ =	sdelay $0x4  }
0xee: {  	s8 =	sor.u32 $0x180, s7;
	v1 =	vadd.f32 v1, v0;
	_ =	sdelay $0x1  }
0xef: {  	[tilespmem:s7+$0xA100] =	vst v1  }
0xf0: {  	v1 =	vld [tilespmem:s8+$0x0];
	_ =	sdelay $0x4  }
0xf1: {  	v0 =	vadd.f32 v1, v0;
	_ =	sdelay $0x1  }
0xf2: {  	[tilespmem:s7+$0xA180] =	vst v0;
	s7 =	sor.u32 s14, s31  }
0xf3: {  	v0 =	vld [tilespmem:s15+$0x80]  }
0xf4: {  	v1 =	vld [tilespmem:s7+$0x0];
	_ =	sdelay $0x3  }
0xf5: {  	s8 =	sor.u32 $0x80, s7  }
0xf6: {  	v1 =	vadd.f32 v1, v0;
	_ =	sdelay $0x1  }
0xf7: {  	[tilespmem:s7+$0xA000] =	vst v1  }
0xf8: {  	v1 =	vld [tilespmem:s8+$0x0];
	_ =	sdelay $0x3  }
0xf9: {  	s8 =	sor.u32 $0x100, s7  }
0xfa: {  	v1 =	vadd.f32 v1, v0;
	_ =	sdelay $0x1  }
0xfb: {  	[tilespmem:s7+$0xA080] =	vst v1  }
0xfc: {  	v1 =	vld [tilespmem:s8+$0x0];
	_ =	sdelay $0x3  }
0xfd: {  	s8 =	sor.u32 $0x180, s7  }
0xfe: {  	v1 =	vadd.f32 v1, v0;
	_ =	sdelay $0x1  }
0xff: {  	[tilespmem:s7+$0xA100] =	vst v1  }
0x100: {  	v1 =	vld [tilespmem:s8+$0x0];
	_ =	sdelay $0x4  }
0x101: {  	v0 =	vadd.f32 v1, v0;
	_ =	sdelay $0x1  }
0x102: {  	s0 =	sor.u32 s0, s31;
	[tilespmem:s7+$0xA180] =	vst v0  }
0x103: {  	v0 =	vld [tilespmem:s2+$0x80]  }
0x104: {  	v1 =	vld [tilespmem:s0+$0x0];
	_ =	sdelay $0x2  }
0x105: {  	s2 =	sor.u32 $0x80, s0;
	_ =	sdelay $0x1  }
0x106: {  	v1 =	vadd.f32 v1, v0;
	_ =	sdelay $0x1  }
0x107: {  	[tilespmem:s0+$0xA000] =	vst v1  }
0x108: {  	v1 =	vld [tilespmem:s2+$0x0];
	_ =	sdelay $0x2  }
0x109: {  	s2 =	sor.u32 $0x100, s0;
	_ =	sdelay $0x1  }
0x10a: {  	v1 =	vadd.f32 v1, v0;
	_ =	sdelay $0x1  }
0x10b: {  	[tilespmem:s0+$0xA080] =	vst v1  }
0x10c: {  	v1 =	vld [tilespmem:s2+$0x0];
	_ =	sdelay $0x2  }
0x10d: {  	s2 =	sor.u32 $0x180, s0  }
.Ltmp1:
0x10e: {  	(pc) =	sbr.rel @p0 .LBB2_5-.Ltmp1, $3  }
0x10f: {  	v1 =	vadd.f32 v1, v0;
	_ =	sdelay $0x1  }
0x110: {  	[tilespmem:s0+$0xA100] =	vst v1  }
0x111: {  	v1 =	vld [tilespmem:s2+$0x0]  }
0x112: {  	_ =	sdelay $0x2  }
0x113: {  	s28 =	simm.s32 $0x0  }
0x114: {  	s12 =	sand.u32 $0xE00, s28;
	v0 =	vadd.f32 v1, v0  }
0x115: {  	s26 =	sor.u32 $0x2000, s25;
	s2 =	sand.u32 $0x40, s28;
	s7 =	sadd.s32 s12, s23  }
0x116: {  	s8 =	sadd.s32 s2, s7;
	[tilespmem:s0+$0xA180] =	vst v0;
	s0 =	sor.u32 s26, s12  }
0x117: {  	s12 =	sor.u32 s2, s0;
	v0 =	vld [tilespmem:s8+$0x100]  }
0x118: {  	v1 =	vld [tilespmem:s12+$0x0];
	_ =	sdelay $0x4  }
0x119: {  	v1 =	vadd.f32 v1, v0;
	_ =	sdelay $0x1  }
0x11a: {  	s13 =	sor.u32 $0x80, s12;
	[tilespmem:s12+$0xA000] =	vst v1  }
0x11b: {  	v1 =	vld [tilespmem:s13+$0x0];
	_ =	sdelay $0x4  }
0x11c: {  	v1 =	vadd.f32 v1, v0;
	_ =	sdelay $0x1  }
0x11d: {  	s14 =	sor.u32 $0x100, s12;
	[tilespmem:s12+$0xA080] =	vst v1  }
0x11e: {  	v1 =	vld [tilespmem:s14+$0x0];
	_ =	sdelay $0x4  }
0x11f: {  	v1 =	vadd.f32 v1, v0;
	_ =	sdelay $0x1  }
0x120: {  	s15 =	sor.u32 $0x180, s12;
	[tilespmem:s12+$0xA100] =	vst v1  }
0x121: {  	v1 =	vld [tilespmem:s15+$0x0];
	_ =	sdelay $0x4  }
0x122: {  	v0 =	vadd.f32 v1, v0  }
0x123: {  	s16 =	sor.u32 $0x10, s2  }
0x124: {  	s13 =	sadd.s32 s16, s7;
	[tilespmem:s12+$0xA180] =	vst v0  }
0x125: {  	s8 =	sor.u32 s16, s0;
	v0 =	vld [tilespmem:s13+$0x100]  }
0x126: {  	v1 =	vld [tilespmem:s8+$0x0];
	_ =	sdelay $0x4  }
0x127: {  	v1 =	vadd.f32 v1, v0;
	_ =	sdelay $0x1  }
0x128: {  	s31 =	sor.u32 $0x80, s8;
	[tilespmem:s8+$0xA000] =	vst v1  }
0x129: {  	v1 =	vld [tilespmem:s31+$0x0];
	_ =	sdelay $0x4  }
0x12a: {  	v1 =	vadd.f32 v1, v0;
	_ =	sdelay $0x1  }
0x12b: {  	s13 =	sor.u32 $0x100, s8;
	[tilespmem:s8+$0xA080] =	vst v1  }
0x12c: {  	v1 =	vld [tilespmem:s13+$0x0];
	_ =	sdelay $0x4  }
0x12d: {  	v1 =	vadd.f32 v1, v0;
	_ =	sdelay $0x1  }
0x12e: {  	s14 =	sor.u32 $0x180, s8;
	[tilespmem:s8+$0xA100] =	vst v1  }
0x12f: {  	v1 =	vld [tilespmem:s14+$0x0];
	_ =	sdelay $0x4  }
0x130: {  	v0 =	vadd.f32 v1, v0  }
0x131: {  	s15 =	sor.u32 $0x20, s2  }
0x132: {  	s16 =	sadd.s32 s15, s7;
	[tilespmem:s8+$0xA180] =	vst v0  }
0x133: {  	s31 =	sor.u32 s15, s0;
	v0 =	vld [tilespmem:s16+$0x100]  }
0x134: {  	v1 =	vld [tilespmem:s31+$0x0];
	_ =	sdelay $0x4  }
0x135: {  	v1 =	vadd.f32 v1, v0;
	_ =	sdelay $0x1  }
0x136: {  	s12 =	sor.u32 $0x80, s31;
	[tilespmem:s31+$0xA000] =	vst v1  }
0x137: {  	v1 =	vld [tilespmem:s12+$0x0];
	_ =	sdelay $0x4  }
0x138: {  	v1 =	vadd.f32 v1, v0;
	_ =	sdelay $0x1  }
0x139: {  	s14 =	sor.u32 $0x100, s31;
	[tilespmem:s31+$0xA080] =	vst v1  }
0x13a: {  	v1 =	vld [tilespmem:s14+$0x0];
	_ =	sdelay $0x4  }
0x13b: {  	v1 =	vadd.f32 v1, v0;
	_ =	sdelay $0x1  }
0x13c: {  	s15 =	sor.u32 $0x180, s31;
	[tilespmem:s31+$0xA100] =	vst v1  }
0x13d: {  	v1 =	vld [tilespmem:s15+$0x0];
	_ =	sdelay $0x4  }
0x13e: {  	v0 =	vadd.f32 v1, v0  }
0x13f: {  	s2 =	sor.u32 $0x30, s2  }
0x140: {  	s7 =	sadd.s32 s2, s7;
	[tilespmem:s31+$0xA180] =	vst v0  }
0x141: {  	s0 =	sor.u32 s2, s0;
	v0 =	vld [tilespmem:s7+$0x100]  }
0x142: {  	v1 =	vld [tilespmem:s0+$0x0];
	_ =	sdelay $0x4  }
0x143: {  	v1 =	vadd.f32 v1, v0;
	_ =	sdelay $0x1  }
0x144: {  	s2 =	sor.u32 $0x80, s0;
	[tilespmem:s0+$0xA000] =	vst v1  }
0x145: {  	v1 =	vld [tilespmem:s2+$0x0];
	_ =	sdelay $0x4  }
0x146: {  	v1 =	vadd.f32 v1, v0;
	_ =	sdelay $0x1  }
0x147: {  	s16 =	sor.u32 $0x100, s0;
	[tilespmem:s0+$0xA080] =	vst v1  }
0x148: {  	v1 =	vld [tilespmem:s16+$0x0];
	_ =	sdelay $0x4  }
0x149: {  	v1 =	vadd.f32 v1, v0;
	_ =	sdelay $0x1  }
0x14a: {  	s31 =	sor.u32 $0x180, s0;
	[tilespmem:s0+$0xA100] =	vst v1  }
0x14b: {  	s29 =	simm.s32 $0x0;
	s30 =	simm.s32 $0x0;
	v1 =	vld [tilespmem:s31+$0x0]  }
.LBB2_7:
0x14c: {  	_ =	sdelay $0x1  }
0x14d: {  	s29 =	sadd.s32 $0x4, s29;
	s28 =	sadd.s32 $0x100, s28;
	s30 =	sadd.s32 $0x40, s30  }
0x14e: {  	p0 =	slt.u32 s29, $0x3C  }
0x14f: {  	s2 =	sand.u32 $0xE00, s28;
	v0 =	vadd.f32 v1, v0  }
0x150: {  	s7 =	sand.u32 $0x40, s30;
	s8 =	sadd.s32 s2, s23;
	s31 =	sor.u32 s26, s2  }
0x151: {  	s13 =	sor.u32 $0x10, s7;
	s2 =	sadd.s32 s7, s8;
	s12 =	sor.u32 s7, s31;
	[tilespmem:s0+$0xA180] =	vst v0  }
0x152: {  	s14 =	sor.u32 $0x20, s7;
	s16 =	sadd.s32 s13, s8;
	s0 =	sor.u32 $0x30, s7;
	v0 =	vld [tilespmem:s2+$0x100]  }
0x153: {  	s15 =	sadd.s32 s14, s8;
	s2 =	sadd.s32 s0, s8;
	v1 =	vld [tilespmem:s12+$0x0];
	_ =	sdelay $0x4  }
0x154: {  	v1 =	vadd.f32 v1, v0  }
0x155: {  	s7 =	sor.u32 $0x80, s12  }
0x156: {  	[tilespmem:s12+$0xA000] =	vst v1  }
0x157: {  	v1 =	vld [tilespmem:s7+$0x0];
	_ =	sdelay $0x4  }
0x158: {  	v1 =	vadd.f32 v1, v0  }
0x159: {  	s7 =	sor.u32 $0x100, s12  }
0x15a: {  	[tilespmem:s12+$0xA080] =	vst v1  }
0x15b: {  	v1 =	vld [tilespmem:s7+$0x0];
	_ =	sdelay $0x4  }
0x15c: {  	v1 =	vadd.f32 v1, v0  }
0x15d: {  	s7 =	sor.u32 $0x180, s12  }
0x15e: {  	[tilespmem:s12+$0xA100] =	vst v1  }
0x15f: {  	v1 =	vld [tilespmem:s7+$0x0];
	_ =	sdelay $0x4  }
0x160: {  	v0 =	vadd.f32 v1, v0;
	_ =	sdelay $0x1  }
0x161: {  	s7 =	sor.u32 s13, s31;
	[tilespmem:s12+$0xA180] =	vst v0  }
0x162: {  	v0 =	vld [tilespmem:s16+$0x100]  }
0x163: {  	v1 =	vld [tilespmem:s7+$0x0];
	_ =	sdelay $0x4  }
0x164: {  	s8 =	sor.u32 $0x80, s7;
	v1 =	vadd.f32 v1, v0;
	_ =	sdelay $0x1  }
0x165: {  	[tilespmem:s7+$0xA000] =	vst v1  }
0x166: {  	v1 =	vld [tilespmem:s8+$0x0];
	_ =	sdelay $0x4  }
0x167: {  	s8 =	sor.u32 $0x100, s7;
	v1 =	vadd.f32 v1, v0;
	_ =	sdelay $0x1  }
0x168: {  	[tilespmem:s7+$0xA080] =	vst v1  }
0x169: {  	v1 =	vld [tilespmem:s8+$0x0];
	_ =	sdelay $0x4  }
0x16a: {  	s8 =	sor.u32 $0x180, s7;
	v1 =	vadd.f32 v1, v0;
	_ =	sdelay $0x1  }
0x16b: {  	[tilespmem:s7+$0xA100] =	vst v1  }
0x16c: {  	v1 =	vld [tilespmem:s8+$0x0];
	_ =	sdelay $0x4  }
0x16d: {  	v0 =	vadd.f32 v1, v0;
	_ =	sdelay $0x1  }
0x16e: {  	[tilespmem:s7+$0xA180] =	vst v0;
	s7 =	sor.u32 s14, s31  }
0x16f: {  	v0 =	vld [tilespmem:s15+$0x100]  }
0x170: {  	v1 =	vld [tilespmem:s7+$0x0];
	_ =	sdelay $0x3  }
0x171: {  	s8 =	sor.u32 $0x80, s7  }
0x172: {  	v1 =	vadd.f32 v1, v0;
	_ =	sdelay $0x1  }
0x173: {  	[tilespmem:s7+$0xA000] =	vst v1  }
0x174: {  	v1 =	vld [tilespmem:s8+$0x0];
	_ =	sdelay $0x3  }
0x175: {  	s8 =	sor.u32 $0x100, s7  }
0x176: {  	v1 =	vadd.f32 v1, v0;
	_ =	sdelay $0x1  }
0x177: {  	[tilespmem:s7+$0xA080] =	vst v1  }
0x178: {  	v1 =	vld [tilespmem:s8+$0x0];
	_ =	sdelay $0x3  }
0x179: {  	s8 =	sor.u32 $0x180, s7  }
0x17a: {  	v1 =	vadd.f32 v1, v0;
	_ =	sdelay $0x1  }
0x17b: {  	[tilespmem:s7+$0xA100] =	vst v1  }
0x17c: {  	v1 =	vld [tilespmem:s8+$0x0];
	_ =	sdelay $0x4  }
0x17d: {  	v0 =	vadd.f32 v1, v0;
	_ =	sdelay $0x1  }
0x17e: {  	s0 =	sor.u32 s0, s31;
	[tilespmem:s7+$0xA180] =	vst v0  }
0x17f: {  	v0 =	vld [tilespmem:s2+$0x100]  }
0x180: {  	v1 =	vld [tilespmem:s0+$0x0];
	_ =	sdelay $0x2  }
0x181: {  	s2 =	sor.u32 $0x80, s0;
	_ =	sdelay $0x1  }
0x182: {  	v1 =	vadd.f32 v1, v0;
	_ =	sdelay $0x1  }
0x183: {  	[tilespmem:s0+$0xA000] =	vst v1  }
0x184: {  	v1 =	vld [tilespmem:s2+$0x0];
	_ =	sdelay $0x2  }
0x185: {  	s2 =	sor.u32 $0x100, s0;
	_ =	sdelay $0x1  }
0x186: {  	v1 =	vadd.f32 v1, v0;
	_ =	sdelay $0x1  }
0x187: {  	[tilespmem:s0+$0xA080] =	vst v1  }
0x188: {  	v1 =	vld [tilespmem:s2+$0x0];
	_ =	sdelay $0x2  }
0x189: {  	s2 =	sor.u32 $0x180, s0  }
.Ltmp2:
0x18a: {  	(pc) =	sbr.rel @p0 .LBB2_7-.Ltmp2, $3  }
0x18b: {  	v1 =	vadd.f32 v1, v0;
	_ =	sdelay $0x1  }
0x18c: {  	[tilespmem:s0+$0xA100] =	vst v1  }
0x18d: {  	v1 =	vld [tilespmem:s2+$0x0]  }
0x18e: {  	_ =	sdelay $0x2  }
0x18f: {  	s28 =	simm.s32 $0x0  }
0x190: {  	s12 =	sand.u32 $0xE00, s28;
	v0 =	vadd.f32 v1, v0  }
0x191: {  	s26 =	sor.u32 $0x3000, s25;
	s2 =	sand.u32 $0x40, s28;
	s7 =	sadd.s32 s12, s23  }
0x192: {  	s8 =	sadd.s32 s2, s7;
	[tilespmem:s0+$0xA180] =	vst v0;
	s0 =	sor.u32 s26, s12  }
0x193: {  	s12 =	sor.u32 s2, s0;
	v0 =	vld [tilespmem:s8+$0x180]  }
0x194: {  	v1 =	vld [tilespmem:s12+$0x0];
	_ =	sdelay $0x4  }
0x195: {  	v1 =	vadd.f32 v1, v0;
	_ =	sdelay $0x1  }
0x196: {  	s13 =	sor.u32 $0x80, s12;
	[tilespmem:s12+$0xA000] =	vst v1  }
0x197: {  	v1 =	vld [tilespmem:s13+$0x0];
	_ =	sdelay $0x4  }
0x198: {  	v1 =	vadd.f32 v1, v0;
	_ =	sdelay $0x1  }
0x199: {  	s14 =	sor.u32 $0x100, s12;
	[tilespmem:s12+$0xA080] =	vst v1  }
0x19a: {  	v1 =	vld [tilespmem:s14+$0x0];
	_ =	sdelay $0x4  }
0x19b: {  	v1 =	vadd.f32 v1, v0;
	_ =	sdelay $0x1  }
0x19c: {  	s15 =	sor.u32 $0x180, s12;
	[tilespmem:s12+$0xA100] =	vst v1  }
0x19d: {  	v1 =	vld [tilespmem:s15+$0x0];
	_ =	sdelay $0x4  }
0x19e: {  	v0 =	vadd.f32 v1, v0  }
0x19f: {  	s16 =	sor.u32 $0x10, s2  }
0x1a0: {  	s13 =	sadd.s32 s16, s7;
	[tilespmem:s12+$0xA180] =	vst v0  }
0x1a1: {  	s8 =	sor.u32 s16, s0;
	v0 =	vld [tilespmem:s13+$0x180]  }
0x1a2: {  	v1 =	vld [tilespmem:s8+$0x0];
	_ =	sdelay $0x4  }
0x1a3: {  	v1 =	vadd.f32 v1, v0;
	_ =	sdelay $0x1  }
0x1a4: {  	s31 =	sor.u32 $0x80, s8;
	[tilespmem:s8+$0xA000] =	vst v1  }
0x1a5: {  	v1 =	vld [tilespmem:s31+$0x0];
	_ =	sdelay $0x4  }
0x1a6: {  	v1 =	vadd.f32 v1, v0;
	_ =	sdelay $0x1  }
0x1a7: {  	s13 =	sor.u32 $0x100, s8;
	[tilespmem:s8+$0xA080] =	vst v1  }
0x1a8: {  	v1 =	vld [tilespmem:s13+$0x0];
	_ =	sdelay $0x4  }
0x1a9: {  	v1 =	vadd.f32 v1, v0;
	_ =	sdelay $0x1  }
0x1aa: {  	s14 =	sor.u32 $0x180, s8;
	[tilespmem:s8+$0xA100] =	vst v1  }
0x1ab: {  	v1 =	vld [tilespmem:s14+$0x0];
	_ =	sdelay $0x4  }
0x1ac: {  	v0 =	vadd.f32 v1, v0  }
0x1ad: {  	s15 =	sor.u32 $0x20, s2  }
0x1ae: {  	s16 =	sadd.s32 s15, s7;
	[tilespmem:s8+$0xA180] =	vst v0  }
0x1af: {  	s31 =	sor.u32 s15, s0;
	v0 =	vld [tilespmem:s16+$0x180]  }
0x1b0: {  	v1 =	vld [tilespmem:s31+$0x0];
	_ =	sdelay $0x4  }
0x1b1: {  	v1 =	vadd.f32 v1, v0;
	_ =	sdelay $0x1  }
0x1b2: {  	s12 =	sor.u32 $0x80, s31;
	[tilespmem:s31+$0xA000] =	vst v1  }
0x1b3: {  	v1 =	vld [tilespmem:s12+$0x0];
	_ =	sdelay $0x4  }
0x1b4: {  	v1 =	vadd.f32 v1, v0;
	_ =	sdelay $0x1  }
0x1b5: {  	s14 =	sor.u32 $0x100, s31;
	[tilespmem:s31+$0xA080] =	vst v1  }
0x1b6: {  	v1 =	vld [tilespmem:s14+$0x0];
	_ =	sdelay $0x4  }
0x1b7: {  	v1 =	vadd.f32 v1, v0;
	_ =	sdelay $0x1  }
0x1b8: {  	s15 =	sor.u32 $0x180, s31;
	[tilespmem:s31+$0xA100] =	vst v1  }
0x1b9: {  	v1 =	vld [tilespmem:s15+$0x0];
	_ =	sdelay $0x4  }
0x1ba: {  	v0 =	vadd.f32 v1, v0  }
0x1bb: {  	s2 =	sor.u32 $0x30, s2  }
0x1bc: {  	s7 =	sadd.s32 s2, s7;
	[tilespmem:s31+$0xA180] =	vst v0  }
0x1bd: {  	s0 =	sor.u32 s2, s0;
	v0 =	vld [tilespmem:s7+$0x180]  }
0x1be: {  	v1 =	vld [tilespmem:s0+$0x0];
	_ =	sdelay $0x4  }
0x1bf: {  	v1 =	vadd.f32 v1, v0;
	_ =	sdelay $0x1  }
0x1c0: {  	s2 =	sor.u32 $0x80, s0;
	[tilespmem:s0+$0xA000] =	vst v1  }
0x1c1: {  	v1 =	vld [tilespmem:s2+$0x0];
	_ =	sdelay $0x4  }
0x1c2: {  	v1 =	vadd.f32 v1, v0;
	_ =	sdelay $0x1  }
0x1c3: {  	s16 =	sor.u32 $0x100, s0;
	[tilespmem:s0+$0xA080] =	vst v1  }
0x1c4: {  	v1 =	vld [tilespmem:s16+$0x0];
	_ =	sdelay $0x4  }
0x1c5: {  	v1 =	vadd.f32 v1, v0;
	_ =	sdelay $0x1  }
0x1c6: {  	s31 =	sor.u32 $0x180, s0;
	[tilespmem:s0+$0xA100] =	vst v1  }
0x1c7: {  	s29 =	simm.s32 $0x0;
	s30 =	simm.s32 $0x0;
	v1 =	vld [tilespmem:s31+$0x0]  }
.LBB2_9:
0x1c8: {  	_ =	sdelay $0x1  }
0x1c9: {  	s29 =	sadd.s32 $0x4, s29;
	s28 =	sadd.s32 $0x100, s28;
	s30 =	sadd.s32 $0x40, s30  }
0x1ca: {  	p0 =	slt.u32 s29, $0x3C  }
0x1cb: {  	s2 =	sand.u32 $0xE00, s28;
	v0 =	vadd.f32 v1, v0  }
0x1cc: {  	s7 =	sand.u32 $0x40, s30;
	s8 =	sadd.s32 s2, s23;
	s31 =	sor.u32 s26, s2  }
0x1cd: {  	s13 =	sor.u32 $0x10, s7;
	s2 =	sadd.s32 s7, s8;
	s12 =	sor.u32 s7, s31;
	[tilespmem:s0+$0xA180] =	vst v0  }
0x1ce: {  	s14 =	sor.u32 $0x20, s7;
	s16 =	sadd.s32 s13, s8;
	s0 =	sor.u32 $0x30, s7;
	v0 =	vld [tilespmem:s2+$0x180]  }
0x1cf: {  	s15 =	sadd.s32 s14, s8;
	s2 =	sadd.s32 s0, s8;
	v1 =	vld [tilespmem:s12+$0x0];
	_ =	sdelay $0x4  }
0x1d0: {  	v1 =	vadd.f32 v1, v0  }
0x1d1: {  	s7 =	sor.u32 $0x80, s12  }
0x1d2: {  	[tilespmem:s12+$0xA000] =	vst v1  }
0x1d3: {  	v1 =	vld [tilespmem:s7+$0x0];
	_ =	sdelay $0x4  }
0x1d4: {  	v1 =	vadd.f32 v1, v0  }
0x1d5: {  	s7 =	sor.u32 $0x100, s12  }
0x1d6: {  	[tilespmem:s12+$0xA080] =	vst v1  }
0x1d7: {  	v1 =	vld [tilespmem:s7+$0x0];
	_ =	sdelay $0x4  }
0x1d8: {  	v1 =	vadd.f32 v1, v0  }
0x1d9: {  	s7 =	sor.u32 $0x180, s12  }
0x1da: {  	[tilespmem:s12+$0xA100] =	vst v1  }
0x1db: {  	v1 =	vld [tilespmem:s7+$0x0];
	_ =	sdelay $0x4  }
0x1dc: {  	v0 =	vadd.f32 v1, v0;
	_ =	sdelay $0x1  }
0x1dd: {  	s7 =	sor.u32 s13, s31;
	[tilespmem:s12+$0xA180] =	vst v0  }
0x1de: {  	v0 =	vld [tilespmem:s16+$0x180]  }
0x1df: {  	v1 =	vld [tilespmem:s7+$0x0];
	_ =	sdelay $0x4  }
0x1e0: {  	s8 =	sor.u32 $0x80, s7;
	v1 =	vadd.f32 v1, v0;
	_ =	sdelay $0x1  }
0x1e1: {  	[tilespmem:s7+$0xA000] =	vst v1  }
0x1e2: {  	v1 =	vld [tilespmem:s8+$0x0];
	_ =	sdelay $0x4  }
0x1e3: {  	s8 =	sor.u32 $0x100, s7;
	v1 =	vadd.f32 v1, v0;
	_ =	sdelay $0x1  }
0x1e4: {  	[tilespmem:s7+$0xA080] =	vst v1  }
0x1e5: {  	v1 =	vld [tilespmem:s8+$0x0];
	_ =	sdelay $0x4  }
0x1e6: {  	s8 =	sor.u32 $0x180, s7;
	v1 =	vadd.f32 v1, v0;
	_ =	sdelay $0x1  }
0x1e7: {  	[tilespmem:s7+$0xA100] =	vst v1  }
0x1e8: {  	v1 =	vld [tilespmem:s8+$0x0];
	_ =	sdelay $0x4  }
0x1e9: {  	v0 =	vadd.f32 v1, v0;
	_ =	sdelay $0x1  }
0x1ea: {  	[tilespmem:s7+$0xA180] =	vst v0;
	s7 =	sor.u32 s14, s31  }
0x1eb: {  	v0 =	vld [tilespmem:s15+$0x180]  }
0x1ec: {  	v1 =	vld [tilespmem:s7+$0x0];
	_ =	sdelay $0x3  }
0x1ed: {  	s8 =	sor.u32 $0x80, s7  }
0x1ee: {  	v1 =	vadd.f32 v1, v0;
	_ =	sdelay $0x1  }
0x1ef: {  	[tilespmem:s7+$0xA000] =	vst v1  }
0x1f0: {  	v1 =	vld [tilespmem:s8+$0x0];
	_ =	sdelay $0x3  }
0x1f1: {  	s8 =	sor.u32 $0x100, s7  }
0x1f2: {  	v1 =	vadd.f32 v1, v0;
	_ =	sdelay $0x1  }
0x1f3: {  	[tilespmem:s7+$0xA080] =	vst v1  }
0x1f4: {  	v1 =	vld [tilespmem:s8+$0x0];
	_ =	sdelay $0x3  }
0x1f5: {  	s8 =	sor.u32 $0x180, s7  }
0x1f6: {  	v1 =	vadd.f32 v1, v0;
	_ =	sdelay $0x1  }
0x1f7: {  	[tilespmem:s7+$0xA100] =	vst v1  }
0x1f8: {  	v1 =	vld [tilespmem:s8+$0x0];
	_ =	sdelay $0x4  }
0x1f9: {  	v0 =	vadd.f32 v1, v0;
	_ =	sdelay $0x1  }
0x1fa: {  	s0 =	sor.u32 s0, s31;
	[tilespmem:s7+$0xA180] =	vst v0  }
0x1fb: {  	v0 =	vld [tilespmem:s2+$0x180]  }
0x1fc: {  	v1 =	vld [tilespmem:s0+$0x0];
	_ =	sdelay $0x2  }
0x1fd: {  	s2 =	sor.u32 $0x80, s0;
	_ =	sdelay $0x1  }
0x1fe: {  	v1 =	vadd.f32 v1, v0;
	_ =	sdelay $0x1  }
0x1ff: {  	[tilespmem:s0+$0xA000] =	vst v1  }
0x200: {  	v1 =	vld [tilespmem:s2+$0x0];
	_ =	sdelay $0x2  }
0x201: {  	s2 =	sor.u32 $0x100, s0;
	_ =	sdelay $0x1  }
0x202: {  	v1 =	vadd.f32 v1, v0;
	_ =	sdelay $0x1  }
0x203: {  	[tilespmem:s0+$0xA080] =	vst v1  }
0x204: {  	v1 =	vld [tilespmem:s2+$0x0];
	_ =	sdelay $0x2  }
0x205: {  	s2 =	sor.u32 $0x180, s0  }
.Ltmp3:
0x206: {  	(pc) =	sbr.rel @p0 .LBB2_9-.Ltmp3, $3  }
0x207: {  	v1 =	vadd.f32 v1, v0;
	_ =	sdelay $0x1  }
0x208: {  	[tilespmem:s0+$0xA100] =	vst v1  }
0x209: {  	v1 =	vld [tilespmem:s2+$0x0]  }
0x20a: {  	_ =	sdelay $0x3  }
0x20b: {  	v0 =	vadd.f32 v1, v0  }
0x20c: {  	s2 =	sshll.u32 s20, $0xB;
	s31 =	sadd.s32 $0xA000, s25;
	p0 =	sgt.u32 s20, $0x3D  }
0x20d: {  	s7 =	sadd.s32 $0x5, s24;
	s2 =	sadd.s32 s2, s9;
	[tilespmem:s0+$0xA180] =	vst v0;
	s0 =	sshll.u32 @!p0 s20, $0x2  }
0x20e: {  	[hbm4b:s2+s4] =	stream.linear.scatter [tilespmem:s31], [sflag:s7], $0x4000, $0x38;
	[tilespmem:$0x12000] =	vst v63  }
0x20f: {  	s0 =	sadd.s32 @!p0 s0, s10  }
0x210: {  	s2 =	sshll.u32 @!p0 s0, $0x9  }
0x211: {  	s7 =	simm.s32 @!p0 $0x0;
	s2 =	sadd.s32 @!p0 s1, s2  }
0x212: {  	[tilespmem:s25], [sflag:s22] =	stream.linear.gather @!p0 [hbm4b:s2+s7], $0x4000, $0x38;
	[tilespmem:$0x12000] =	vst v63  }
0x213: {  	s2 =	sshll.u32 @!p0 s20, $0x6  }
0x214: {  	s0 =	sshll.u32 @!p0 s0, $0x7;
	s2 =	sand.u32 @!p0 $0x40, s2  }
0x215: {  	s0 =	sand.u32 @!p0 $0x1FFC00, s0;
	s7 =	simm.s32 @!p0 $0x400;
	s2 =	sadd.s32 @!p0 s3, s2  }
0x216: {  	s20 =	sadd.s32 $0x1, s20;
	s0 =	sadd.s32 @!p0 s0, s2;
	s2 =	simm.s32 @!p0 $0x200  }
0x217: {  	[tilespmem:s23], [sflag:s21] =	stream.strided.gather @!p0 [hbm4b:s0+s2], $0x1000, s7, s2, $0x38;
	[tilespmem:$0x12000] =	vst v63  }
0x218: {  	p0 =	sne.s32 s20, $0x40  }
.Ltmp4:
0x219: {  	_ = 	snop;
	(pc) =	sbr.rel @p0 .LBB2_2-.Ltmp4, $1  }
0x21a: {  	_ =	sdelay $0x3  }
0x21b: {  	s19 =	sadd.s32 $0x1, s19  }
0x21c: {  	_ =	swait.ge [sflag:s17], $0x4000;
	p0 =	sne.s32 s19, s11  }
.Ltmp5:
0x21d: {  	[sflag:s17] =	ssyncset.done $0x0;
	(pc) =	sbr.rel @p0 .LBB2_1-.Ltmp5, $4  }
0x21e: {  	[sflag:s17] =	ssyncadd.s32 $0xFFFFC000  }
0x21f: {  	_ =	swait.ge [sflag:s18], $0x4000  }
0x220: {  	[sflag:s18] =	ssyncset.done $0x0  }
0x221: {  	[sflag:s18] =	ssyncadd.s32 $0xFFFFC000  }
0x222: {  	_ =	sfence.sel $0x180000  }
0x223: {  	[bflag:$0x0] =	sbarrier.arrive $0xFFFF  }
0x224: {  	_ =	strace $0x90000047  }
0x225: {  	s0 =	stileid.u32;
	[bflag:$0x2] =	sbarrier.arrive $0xFFFF  }
0x226: {  	p0 =	sne.s32 s0, $0x0;
	s0 =	rddreg [dreg:$0x3]  }
0x227: {  	s0 =	sadd.s32 @!p0 $0x100000, s0  }
0x228: {  	[sflag:s0] =	ssyncadd.tile.s32 @!p0 $0x1;
	_ =	shalt  }
.Lfunc_end2:
_tile_overlayer_lowered:
.L_overlay_start_2:
0x229: {  	(tag) =	ssettag $0x2  }
0x22a: {  	s0 =	rddreg [dreg:$0x0];
	s2 =	stileid.u32  }
0x22b: {  	s1 =	rddreg [dreg:$0x1];
	p0 =	sne.s32 s2, $0x0  }
0x22c: {  	s3 =	rddreg [dreg:$0x2];
	[bflag:$0x3] =	sbarrier.arrive $0xFFFF;
	s2 =	simm.s32 @!p0 $0x1C07  }
0x22d: {  	[timem:s3], [sflag:s2] =	dma.local @!p0 [hbm:s0], s1  }
0x22e: {  	s0 =	simm.s32 @!p0 $0x7  }
0x22f: {  	_ =	swait.ge @!p0 [sflag:s0], s1  }
0x230: {  	s1 =	ssub.s32 @!p0 $0x0, s1;
	[sflag:s0] =	ssyncset.done @!p0 $0x0  }
0x231: {  	[sflag:s0] =	ssyncadd.s32 @!p0 s1  }
0x232: {  	[bflag:$0x3] =	sbarrier.arrive $0xFFFF  }
0x233: {  	_ =	shalt  }

</sc_bundles>
